<compile_context>
chip_gen: v7x
topology: tpu7x:2x2x1
jax: 0.10.2.dev20260603
libtpu: 0.0.44.dev20260713+nightly
codegen_flags: <defaults>
</compile_context>

<pallas_src>
import functools

import jax
import jax.numpy as jnp
from jax import lax
from jax.experimental import pallas as pl
from jax.experimental.pallas import tpu as pltpu
from jax.experimental.pallas import tpu_sc as plsc

B, N, H = 16, 128, 32
MHD, EF = 5, 3
NER = 513
NSP = 512
TBL_ROWS = MHD * NER + NSP
HP = H // 2
NC, NS, L = 2, 16, 16
NW = NC * NS
ROWS = B * N
ROWS_PER_W = ROWS // NW
INW = N * 16


def _prep_body(ew_ref, w3_ref, sw_ref, out_ref):
    ew = ew_ref[...]
    parts = [jnp.dot(ew, w3_ref[m], preferred_element_type=jnp.float32)
             for m in range(MHD)]
    parts.append(sw_ref[...])
    out_ref[...] = jnp.concatenate(parts, axis=0)


def _prep_table(edge_weight, w3, spatial_weight):
    return pl.pallas_call(
        _prep_body,
        out_shape=jax.ShapeDtypeStruct((TBL_ROWS, H), jnp.float32),
    )(edge_weight, w3, spatial_weight)


def _row_compute(in_v, r_v, tbl_v, lane, offc, pa, pb, pc, p15, ioN):
    def pair_body(j, carry2):
        iv = in_v[pl.ds(j * 16, 16)]
        t = jnp.minimum(iv, 1)
        cnt = (jnp.take_along_axis(t, pa, axis=0)
               + jnp.take_along_axis(t, pb, axis=0)
               + jnp.take_along_axis(t, pc, axis=0))
        inv_d = jnp.where(cnt <= 1, 1.0,
                          jnp.where(cnt == 2, 0.5, 1.0 / 3.0))
        spb = jnp.take_along_axis(iv, p15, axis=0)
        sp_ = jnp.clip(spb - 1, 1, MHD)
        inv_sp = jnp.where(
            sp_ == 1, 1.0,
            jnp.where(sp_ == 2, 0.5,
                      jnp.where(sp_ == 3, 1.0 / 3.0,
                                jnp.where(sp_ == 4, 0.25, 0.2))))
        w = jnp.where(lane == 15, 1.0, inv_d * inv_sp)
        addr = (iv + offc) * HP
        acc = None
        for s in range(16):
            rowv = tbl_v[pl.ds(addr[s], 16)]
            rb = plsc.bitcast(rowv, jnp.bfloat16)
            ws = jnp.take_along_axis(w, lane * 0 + s, axis=0)
            wsb = plsc.pack(ws, ws, format=plsc.PackFormat.INTERLEAVED)
            c = rb * wsb
            acc = c if acc is None else acc + c
        plsc.store_scatter(r_v, [ioN + j], plsc.bitcast(acc, jnp.int32))
        return carry2

    lax.fori_loop(0, N, pair_body, 0)


def _sc_body(tcat_hbm, in_hbm, out_hbm, tbl_v, in0, in1, r0, r1,
             sem_t, si0, si1, so0, so1):
    wid = lax.axis_index("s") * NC + lax.axis_index("c")
    base = wid * ROWS_PER_W
    last = base + ROWS_PER_W - 1
    pltpu.async_copy(tcat_hbm, tbl_v, sem_t).wait()
    pltpu.async_copy(in_hbm.at[base], in0, si0)

    lane = lax.iota(jnp.int32, L)
    offc = lax.div(lane, EF) * NER
    pa = lax.div(lane, 3) * 3
    pb = jnp.minimum(pa + 1, 15)
    pc = jnp.minimum(pa + 2, 15)
    p15 = lane * 0 + 15
    ioN = lane * N
    consts = (lane, offc, pa, pb, pc, p15, ioN)

    def pair_body(k2, carry):
        row0 = base + 2 * k2
        row1 = row0 + 1
        nxt = jnp.minimum(row1 + 1, last)

        pltpu.make_async_copy(in_hbm.at[row0], in0, si0).wait()
        pltpu.async_copy(in_hbm.at[row1], in1, si1)

        @pl.when(k2 > 0)
        def _():
            pltpu.make_async_copy(r0, out_hbm.at[row0], so0).wait()

        _row_compute(in0, r0, tbl_v, *consts)
        pltpu.async_copy(r0, out_hbm.at[row0], so0)

        pltpu.make_async_copy(in_hbm.at[row1], in1, si1).wait()
        pltpu.async_copy(in_hbm.at[nxt], in0, si0)

        @pl.when(k2 > 0)
        def _():
            pltpu.make_async_copy(r1, out_hbm.at[row1], so1).wait()

        _row_compute(in1, r1, tbl_v, *consts)
        pltpu.async_copy(r1, out_hbm.at[row1], so1)
        return carry

    lax.fori_loop(0, ROWS_PER_W // 2, pair_body, 0)
    pltpu.make_async_copy(r0, out_hbm.at[last - 1], so0).wait()
    pltpu.make_async_copy(r1, out_hbm.at[last], so1).wait()
    pltpu.make_async_copy(in_hbm.at[last], in0, si0).wait()


_sc_gather = functools.partial(
    pl.kernel,
    out_type=jax.ShapeDtypeStruct((ROWS, HP * N), jnp.int32),
    mesh=plsc.VectorSubcoreMesh(core_axis_name="c", subcore_axis_name="s"),
    compiler_params=pltpu.CompilerParams(needs_layout_passes=False),
    scratch_types=[
        pltpu.VMEM((TBL_ROWS * HP,), jnp.int32),
        pltpu.VMEM((INW,), jnp.int32),
        pltpu.VMEM((INW,), jnp.int32),
        pltpu.VMEM((HP * N,), jnp.int32),
        pltpu.VMEM((HP * N,), jnp.int32),
        pltpu.SemaphoreType.DMA,
        pltpu.SemaphoreType.DMA,
        pltpu.SemaphoreType.DMA,
        pltpu.SemaphoreType.DMA,
        pltpu.SemaphoreType.DMA,
    ],
)(_sc_body)


def _add_body(ab_ref, r_ref, gt_ref, out_ref):
    h = pl.program_id(1)
    t = gt_ref[0, h]
    ab = ab_ref[0, 0]
    hp = lax.div(h, 2)
    sel = lax.rem(h, 2)
    w = r_ref[0, :, pl.ds(hp * N, N)]
    bits = jnp.where(sel == 0, w << 16,
                     w & jnp.int32(-65536))
    r = lax.bitcast_convert_type(bits, jnp.float32)
    rp = jnp.pad(r, ((1, 0), (1, 0)))
    i0 = lax.broadcasted_iota(jnp.int32, (N + 1, N + 1), 0)
    i1 = lax.broadcasted_iota(jnp.int32, (N + 1, N + 1), 1)
    edge_mask = jnp.logical_or(i0 == 0, i1 == 0)
    out_ref[0, 0] = ab + rp + jnp.where(edge_mask, t, 0.0)


def _add_bias(attn_bias, rpk, graph_token_weight):
    return pl.pallas_call(
        _add_body,
        grid=(B, H),
        in_specs=[
            pl.BlockSpec((1, 1, N + 1, N + 1), lambda b, h: (b, h, 0, 0)),
            pl.BlockSpec((1, N, HP * N), lambda b, h: (b, 0, 0)),
            pl.BlockSpec(memory_space=pltpu.SMEM),
        ],
        out_specs=pl.BlockSpec((1, 1, N + 1, N + 1), lambda b, h: (b, h, 0, 0)),
        out_shape=jax.ShapeDtypeStruct((B, H, N + 1, N + 1), jnp.float32),
        compiler_params=pltpu.CompilerParams(
            dimension_semantics=("arbitrary", "arbitrary")),
    )(attn_bias, rpk, graph_token_weight)


def kernel(attn_bias, spatial_pos, edge_input, attn_edge_type,
           edge_weight, spatial_weight, graph_token_weight, edge_dis_weight):
    del attn_edge_type
    w3 = edge_dis_weight.reshape(-1, H, H)[:MHD]
    tcat = _prep_table(edge_weight, w3, spatial_weight)
    packed = lax.bitcast_convert_type(
        tcat.astype(jnp.bfloat16).reshape(TBL_ROWS, HP, 2), jnp.int32)
    tflat = packed.reshape(TBL_ROWS * HP)
    in_t = jnp.concatenate(
        [edge_input.reshape(ROWS, N, MHD * EF),
         spatial_pos.reshape(ROWS, N, 1)], axis=2).reshape(ROWS, INW)
    r = _sc_gather(tflat, in_t)
    rpk = r.reshape(B, N, HP * N)
    return _add_bias(attn_bias, rpk, graph_token_weight)

# --- scband reference (transcript-rebuilt; emitter-appended) ---
"""Pipeline reference for scband-graph-attn-bias-29652454212053 (READ-ONLY COPY).

The authoritative reference and input builder live on the scoring server;
editing this copy changes nothing except your own understanding.
"""

import jax, jax.numpy as jnp
import numpy as np

B, N, H = 16, 128, 32
NUM_EDGE_ROWS = 513  # num_edge_embeddings + 1
NUM_SPATIAL = 512
NUM_EDGE_DIST = 128
MHD = 5
EF = 3


def setup_inputs(seed: int = 0) -> dict:
    key = jax.random.key(seed)
    ks = jax.random.split(key, 8)
    attn_bias = jax.random.normal(ks[0], (B, H, N + 1, N + 1), dtype=jnp.float32)
    spatial_pos = jax.random.randint(ks[1], (B, N, N), 0, NUM_SPATIAL, dtype=jnp.int32)
    edge_input = jax.random.randint(ks[2], (B, N, N, MHD, EF), 0, NUM_EDGE_ROWS, dtype=jnp.int32)
    attn_edge_type = jax.random.randint(ks[3], (B, N, N, EF), 0, NUM_EDGE_ROWS, dtype=jnp.int32)
    edge_weight = jax.random.normal(ks[4], (NUM_EDGE_ROWS, H), dtype=jnp.float32) * 0.02
    edge_weight = edge_weight.at[0].set(0.0)  # padding_idx=0
    spatial_weight = jax.random.normal(ks[5], (NUM_SPATIAL, H), dtype=jnp.float32) * 0.02
    spatial_weight = spatial_weight.at[0].set(0.0)  # padding_idx=0
    graph_token_weight = jax.random.normal(ks[6], (1, H), dtype=jnp.float32) * 0.02
    edge_dis_weight = jax.random.normal(ks[7], (NUM_EDGE_DIST * H * H, 1), dtype=jnp.float32) * 0.02
    return {
        "attn_bias": attn_bias,
        "spatial_pos": spatial_pos,
        "edge_input": edge_input,
        "attn_edge_type": attn_edge_type,
        "edge_weight": edge_weight,
        "spatial_weight": spatial_weight,
        "graph_token_weight": graph_token_weight,
        "edge_dis_weight": edge_dis_weight,
    }


def reference(attn_bias, spatial_pos, edge_input, attn_edge_type,
              edge_weight, spatial_weight, graph_token_weight, edge_dis_weight):
    num_heads = graph_token_weight.shape[-1]
    g = attn_bias
    # spatial position bias: embedding lookup [B,N,N,H] -> [B,H,N,N]
    sp_bias = jnp.take(spatial_weight, spatial_pos, axis=0)
    g = g.at[:, :, 1:, 1:].add(jnp.transpose(sp_bias, (0, 3, 1, 2)))
    # virtual graph token distance
    t = graph_token_weight.reshape(1, num_heads, 1)
    g = g.at[:, :, 1:, 0].add(t)
    g = g.at[:, :, 0, :].add(t)
    # multi_hop edge encoding
    spatial_pos_ = jnp.clip(spatial_pos - 1, 1, MHD)
    ei = edge_input[..., :MHD, :]
    sh = ei.shape
    flat = ei.reshape(-1, sh[-1])
    # embedding_bag mode='mean' with padding_idx=0: exclude idx==0 from sum and denominator
    mask = (flat != 0).astype(jnp.float32)
    emb = jnp.take(edge_weight, flat, axis=0) * mask[..., None]
    denom = jnp.clip(jnp.sum(mask, axis=-1), 1.0, None)
    bag = jnp.sum(emb, axis=1) / denom[:, None]
    bag = bag.reshape(sh[:-1] + (num_heads,))  # [B,N,N,MHD,H]
    max_dist = bag.shape[-2]
    W3 = edge_dis_weight.reshape(-1, num_heads, num_heads)[:max_dist]  # [MHD,H,H]
    x = jnp.matmul(bag[..., None, :], W3)  # [B,N,N,MHD,1,H]
    x = jnp.squeeze(x, axis=-2)
    x = jnp.sum(x, axis=-2) / spatial_pos_.astype(jnp.float32)[..., None]  # [B,N,N,H]
    g = g.at[:, :, 1:, 1:].add(jnp.transpose(x, (0, 3, 1, 2)))
    return g

if __name__ == "__main__":
    import jax
    _d = setup_inputs()
    print(jax.jit(kernel)(*tuple(_d.values())))

</pallas_src>

<mosaic_0001>
#map = affine_map<(d0, d1) -> (0)>
#map1 = affine_map<(d0, d1) -> (0, 0)>
module attributes {stable_mosaic.version = 14 : i64} {
  func.func @_sc_body(%arg0: i32, %arg1: i32, %arg2: memref<49232xi32, #tpu.memory_space<hbm>>, %arg3: memref<2048x2048xi32, #tpu.memory_space<hbm>>, %arg4: memref<2048x2048xi32, #tpu.memory_space<hbm>>, %arg5: memref<49232xi32, #tpu.memory_space<vmem>>, %arg6: memref<2048xi32, #tpu.memory_space<vmem>>, %arg7: memref<2048xi32, #tpu.memory_space<vmem>>, %arg8: memref<2048xi32, #tpu.memory_space<vmem>>, %arg9: memref<2048xi32, #tpu.memory_space<vmem>>, %arg10: memref<!tpu.dma_semaphore, #tpu.memory_space<semaphore_mem>>, %arg11: memref<!tpu.dma_semaphore, #tpu.memory_space<semaphore_mem>>, %arg12: memref<!tpu.dma_semaphore, #tpu.memory_space<semaphore_mem>>, %arg13: memref<!tpu.dma_semaphore, #tpu.memory_space<semaphore_mem>>, %arg14: memref<!tpu.dma_semaphore, #tpu.memory_space<semaphore_mem>>) attributes {dimension_semantics = [#tpu.dimension_semantics<core_parallel>, #tpu.dimension_semantics<subcore_parallel>], iteration_bounds = array<i64: 2, 16>, scalar_prefetch = 0 : i64, scratch_operands = 10 : i64, tpu.core_type = #tpu.core_type<sc_vector_subcore>, window_params = [{transform_indices = #map}, {transform_indices = #map1}, {transform_indices = #map1}]} {
    %mul3A = arith.constant 2 : i32
    %mul3A_0 = arith.muli %arg1, %mul3A : i32
    %add3A = arith.addi %mul3A_0, %arg0 : i32
    %mul3A_1 = arith.constant 64 : i32
    %mul3A_2 = arith.muli %add3A, %mul3A_1 : i32
    %add3A_3 = arith.constant 64 : i32
    %add3A_4 = arith.addi %mul3A_2, %add3A_3 : i32
    %sub3A = arith.constant 1 : i32
    %sub3A_5 = arith.subi %add3A_4, %sub3A : i32
    tpu.enqueue_dma source(%arg2 : memref<49232xi32, #tpu.memory_space<hbm>>) target(%arg5 : memref<49232xi32, #tpu.memory_space<vmem>>) target_semaphore(%arg10 : memref<!tpu.dma_semaphore, #tpu.memory_space<semaphore_mem>>)
    tpu.wait_dma2 semaphore(%arg10 : memref<!tpu.dma_semaphore, #tpu.memory_space<semaphore_mem>>) src(%arg2 : memref<49232xi32, #tpu.memory_space<hbm>>) dst(%arg5 : memref<49232xi32, #tpu.memory_space<vmem>>)
    %dma_start3A = arith.constant 0 : i32
    %dma_start3A_6 = tpu.memref_slice %arg3[%mul3A_2, %dma_start3A] : memref<2048x2048xi32, #tpu.memory_space<hbm>> -> memref<1x2048xi32, #tpu.memory_space<hbm>>
    %dma_start3A_7 = tpu.memref_squeeze %dma_start3A_6 : memref<1x2048xi32, #tpu.memory_space<hbm>> -> memref<2048xi32, #tpu.memory_space<hbm>>
    %dma_start3A_8 = arith.constant 0 : i32
    %dma_start3A_9 = tpu.memref_slice %arg3[%mul3A_2, %dma_start3A_8] : memref<2048x2048xi32, #tpu.memory_space<hbm>> -> memref<1x2048xi32, #tpu.memory_space<hbm>>
    %dma_start3A_10 = tpu.memref_squeeze %dma_start3A_9 : memref<1x2048xi32, #tpu.memory_space<hbm>> -> memref<2048xi32, #tpu.memory_space<hbm>>
    tpu.enqueue_dma source(%dma_start3A_10 : memref<2048xi32, #tpu.memory_space<hbm>>) target(%arg6 : memref<2048xi32, #tpu.memory_space<vmem>>) target_semaphore(%arg11 : memref<!tpu.dma_semaphore, #tpu.memory_space<semaphore_mem>>)
    %iota3A = tpu.iota {dimensions = array<i32: 0>} : vector<16xi32>
    %div3A = arith.constant 3 : i32
    %div3A_11 = vector.broadcast %div3A : i32 to vector<16xi32>
    %div3A_12 = arith.divsi %iota3A, %div3A_11 : vector<16xi32>
    %mul3A_13 = arith.constant 513 : i32
    %mul3A_14 = vector.broadcast %mul3A_13 : i32 to vector<16xi32>
    %mul3A_15 = arith.muli %div3A_12, %mul3A_14 : vector<16xi32>
    %div3A_16 = arith.constant 3 : i32
    %div3A_17 = vector.broadcast %div3A_16 : i32 to vector<16xi32>
    %div3A_18 = arith.divsi %iota3A, %div3A_17 : vector<16xi32>
    %mul3A_19 = arith.constant 3 : i32
    %mul3A_20 = vector.broadcast %mul3A_19 : i32 to vector<16xi32>
    %mul3A_21 = arith.muli %div3A_18, %mul3A_20 : vector<16xi32>
    %add3A_22 = arith.constant 1 : i32
    %add3A_23 = vector.broadcast %add3A_22 : i32 to vector<16xi32>
    %add3A_24 = arith.addi %mul3A_21, %add3A_23 : vector<16xi32>
    %min3A = arith.constant 15 : i32
    %min3A_25 = vector.broadcast %min3A : i32 to vector<16xi32>
    %min3A_26 = arith.minsi %add3A_24, %min3A_25 : vector<16xi32>
    %add3A_27 = arith.constant 2 : i32
    %add3A_28 = vector.broadcast %add3A_27 : i32 to vector<16xi32>
    %add3A_29 = arith.addi %mul3A_21, %add3A_28 : vector<16xi32>
    %min3A_30 = arith.constant 15 : i32
    %min3A_31 = vector.broadcast %min3A_30 : i32 to vector<16xi32>
    %min3A_32 = arith.minsi %add3A_29, %min3A_31 : vector<16xi32>
    %mul3A_33 = arith.constant 0 : i32
    %mul3A_34 = vector.broadcast %mul3A_33 : i32 to vector<16xi32>
    %mul3A_35 = arith.muli %iota3A, %mul3A_34 : vector<16xi32>
    %add3A_36 = arith.constant 15 : i32
    %add3A_37 = vector.broadcast %add3A_36 : i32 to vector<16xi32>
    %add3A_38 = arith.addi %mul3A_35, %add3A_37 : vector<16xi32>
    %mul3A_39 = arith.constant 128 : i32
    %mul3A_40 = vector.broadcast %mul3A_39 : i32 to vector<16xi32>
    %mul3A_41 = arith.muli %iota3A, %mul3A_40 : vector<16xi32>
    %scan3A = arith.constant 0 : i32
    %scan3A_42 = arith.constant 0 : i32
    %scan3A_43 = arith.constant 32 : i32
    %scan3A_44 = arith.addi %scan3A_42, %scan3A_43 : i32
    %scan3A_45 = arith.constant 1 : i32
    scf.for %scan3A_66 = %scan3A_42 to %scan3A_44 step %scan3A_45  : i32 {
      %mul3A_67 = arith.constant 2 : i32
      %mul3A_68 = arith.muli %mul3A_67, %scan3A_66 : i32
      %add3A_69 = arith.addi %mul3A_2, %mul3A_68 : i32
      %add3A_70 = arith.constant 1 : i32
      %add3A_71 = arith.addi %add3A_69, %add3A_70 : i32
      %add3A_72 = arith.constant 1 : i32
      %add3A_73 = arith.addi %add3A_71, %add3A_72 : i32
      %min3A_74 = arith.minsi %add3A_73, %sub3A_5 : i32
      %dma_wait3A_75 = arith.constant 0 : i32
      %dma_wait3A_76 = tpu.memref_slice %arg3[%add3A_69, %dma_wait3A_75] : memref<2048x2048xi32, #tpu.memory_space<hbm>> -> memref<1x2048xi32, #tpu.memory_space<hbm>>
      %dma_wait3A_77 = tpu.memref_squeeze %dma_wait3A_76 : memref<1x2048xi32, #tpu.memory_space<hbm>> -> memref<2048xi32, #tpu.memory_space<hbm>>
      %dma_wait3A_78 = arith.constant 0 : i32
      %dma_wait3A_79 = tpu.memref_slice %arg3[%add3A_69, %dma_wait3A_78] : memref<2048x2048xi32, #tpu.memory_space<hbm>> -> memref<1x2048xi32, #tpu.memory_space<hbm>>
      %dma_wait3A_80 = tpu.memref_squeeze %dma_wait3A_79 : memref<1x2048xi32, #tpu.memory_space<hbm>> -> memref<2048xi32, #tpu.memory_space<hbm>>
      tpu.wait_dma2 semaphore(%arg11 : memref<!tpu.dma_semaphore, #tpu.memory_space<semaphore_mem>>) src(%dma_wait3A_80 : memref<2048xi32, #tpu.memory_space<hbm>>) dst(%arg6 : memref<2048xi32, #tpu.memory_space<vmem>>)
      %dma_start3A_81 = arith.constant 0 : i32
      %dma_start3A_82 = tpu.memref_slice %arg3[%add3A_71, %dma_start3A_81] : memref<2048x2048xi32, #tpu.memory_space<hbm>> -> memref<1x2048xi32, #tpu.memory_space<hbm>>
      %dma_start3A_83 = tpu.memref_squeeze %dma_start3A_82 : memref<1x2048xi32, #tpu.memory_space<hbm>> -> memref<2048xi32, #tpu.memory_space<hbm>>
      %dma_start3A_84 = arith.constant 0 : i32
      %dma_start3A_85 = tpu.memref_slice %arg3[%add3A_71, %dma_start3A_84] : memref<2048x2048xi32, #tpu.memory_space<hbm>> -> memref<1x2048xi32, #tpu.memory_space<hbm>>
      %dma_start3A_86 = tpu.memref_squeeze %dma_start3A_85 : memref<1x2048xi32, #tpu.memory_space<hbm>> -> memref<2048xi32, #tpu.memory_space<hbm>>
      tpu.enqueue_dma source(%dma_start3A_86 : memref<2048xi32, #tpu.memory_space<hbm>>) target(%arg7 : memref<2048xi32, #tpu.memory_space<vmem>>) target_semaphore(%arg12 : memref<!tpu.dma_semaphore, #tpu.memory_space<semaphore_mem>>)
      %gt3A = arith.constant 0 : i32
      %gt3A_87 = arith.cmpi sgt, %scan3A_66, %gt3A : i32
      %convert_element_type3A = arith.extui %gt3A_87 : i1 to i32
      %cond3A = arith.constant 0 : i32
      %cond3A_88 = arith.cmpi ne, %convert_element_type3A, %cond3A : i32
      scf.if %cond3A_88 {
        %dma_wait3A_130 = arith.constant 0 : i32
        %dma_wait3A_131 = tpu.memref_slice %arg4[%add3A_69, %dma_wait3A_130] : memref<2048x2048xi32, #tpu.memory_space<hbm>> -> memref<1x2048xi32, #tpu.memory_space<hbm>>
        %dma_wait3A_132 = tpu.memref_squeeze %dma_wait3A_131 : memref<1x2048xi32, #tpu.memory_space<hbm>> -> memref<2048xi32, #tpu.memory_space<hbm>>
        %dma_wait3A_133 = arith.constant 0 : i32
        %dma_wait3A_134 = tpu.memref_slice %arg4[%add3A_69, %dma_wait3A_133] : memref<2048x2048xi32, #tpu.memory_space<hbm>> -> memref<1x2048xi32, #tpu.memory_space<hbm>>
        %dma_wait3A_135 = tpu.memref_squeeze %dma_wait3A_134 : memref<1x2048xi32, #tpu.memory_space<hbm>> -> memref<2048xi32, #tpu.memory_space<hbm>>
        tpu.wait_dma2 semaphore(%arg13 : memref<!tpu.dma_semaphore, #tpu.memory_space<semaphore_mem>>) src(%arg8 : memref<2048xi32, #tpu.memory_space<vmem>>) dst(%dma_wait3A_135 : memref<2048xi32, #tpu.memory_space<hbm>>)
      } else {
      }
      %scan3A_89 = arith.constant 0 : i32
      %scan3A_90 = arith.constant 0 : i32
      %scan3A_91 = arith.constant 128 : i32
      %scan3A_92 = arith.addi %scan3A_90, %scan3A_91 : i32
      %scan3A_93 = arith.constant 1 : i32
      scf.for %scan3A_130 = %scan3A_90 to %scan3A_92 step %scan3A_93  : i32 {
        %mul3A_131 = arith.constant 16 : i32
        %mul3A_132 = arith.muli %scan3A_130, %mul3A_131 : i32
        %get3A = arith.index_cast %mul3A_132 : i32 to index
        %get3A_133 = tpu.vector_load %arg6[%get3A] {strides = array<i32>} : memref<2048xi32, #tpu.memory_space<vmem>>, vector<16xi32>,
        %min3A_134 = arith.constant 1 : i32
        %min3A_135 = vector.broadcast %min3A_134 : i32 to vector<16xi32>
        %min3A_136 = arith.minsi %get3A_133, %min3A_135 : vector<16xi32>
        %lt3A = arith.constant 0 : i32
        %lt3A_137 = vector.broadcast %lt3A : i32 to vector<16xi32>
        %lt3A_138 = arith.cmpi slt, %mul3A_21, %lt3A_137 : vector<16xi32>
        %add3A_139 = arith.constant 16 : i32
        %add3A_140 = vector.broadcast %add3A_139 : i32 to vector<16xi32>
        %add3A_141 = arith.addi %mul3A_21, %add3A_140 : vector<16xi32>
        %select_n3A = arith.select %lt3A_138, %add3A_141, %mul3A_21 : vector<16xi1>, vector<16xi32>
        %reshape3A = vector.shape_cast %select_n3A : vector<16xi32> to vector<16x1xi32>
        %gather3A = vector.shape_cast %reshape3A : vector<16x1xi32> to vector<16xi32>
        %gather3A_142 = tpu.dynamic_gather %min3A_136[%gather3A] in [0] : vector<16xi32>, vector<16xi32> -> vector<16xi32>
        %lt3A_143 = arith.constant 0 : i32
        %lt3A_144 = vector.broadcast %lt3A_143 : i32 to vector<16xi32>
        %lt3A_145 = arith.cmpi slt, %min3A_26, %lt3A_144 : vector<16xi32>
        %add3A_146 = arith.constant 16 : i32
        %add3A_147 = vector.broadcast %add3A_146 : i32 to vector<16xi32>
        %add3A_148 = arith.addi %min3A_26, %add3A_147 : vector<16xi32>
        %select_n3A_149 = arith.select %lt3A_145, %add3A_148, %min3A_26 : vector<16xi1>, vector<16xi32>
        %reshape3A_150 = vector.shape_cast %select_n3A_149 : vector<16xi32> to vector<16x1xi32>
        %gather3A_151 = vector.shape_cast %reshape3A_150 : vector<16x1xi32> to vector<16xi32>
        %gather3A_152 = tpu.dynamic_gather %min3A_136[%gather3A_151] in [0] : vector<16xi32>, vector<16xi32> -> vector<16xi32>
        %add3A_153 = arith.addi %gather3A_142, %gather3A_152 : vector<16xi32>
        %lt3A_154 = arith.constant 0 : i32
        %lt3A_155 = vector.broadcast %lt3A_154 : i32 to vector<16xi32>
        %lt3A_156 = arith.cmpi slt, %min3A_32, %lt3A_155 : vector<16xi32>
        %add3A_157 = arith.constant 16 : i32
        %add3A_158 = vector.broadcast %add3A_157 : i32 to vector<16xi32>
        %add3A_159 = arith.addi %min3A_32, %add3A_158 : vector<16xi32>
        %select_n3A_160 = arith.select %lt3A_156, %add3A_159, %min3A_32 : vector<16xi1>, vector<16xi32>
        %reshape3A_161 = vector.shape_cast %select_n3A_160 : vector<16xi32> to vector<16x1xi32>
        %gather3A_162 = vector.shape_cast %reshape3A_161 : vector<16x1xi32> to vector<16xi32>
        %gather3A_163 = tpu.dynamic_gather %min3A_136[%gather3A_162] in [0] : vector<16xi32>, vector<16xi32> -> vector<16xi32>
        %add3A_164 = arith.addi %add3A_153, %gather3A_163 : vector<16xi32>
        %le3A = arith.constant 1 : i32
        %le3A_165 = vector.broadcast %le3A : i32 to vector<16xi32>
        %le3A_166 = arith.cmpi sle, %add3A_164, %le3A_165 : vector<16xi32>
        %eq3A = arith.constant 2 : i32
        %eq3A_167 = vector.broadcast %eq3A : i32 to vector<16xi32>
        %eq3A_168 = arith.cmpi eq, %add3A_164, %eq3A_167 : vector<16xi32>
        %jit3A = arith.constant 5.000000e-01 : f32
        %jit3A_169 = arith.constant 0.333333343 : f32
        %broadcast_in_dim3A = vector.broadcast %jit3A : f32 to vector<16xf32>
        %broadcast_in_dim3A_170 = vector.broadcast %jit3A_169 : f32 to vector<16xf32>
        %select_n3A_171 = arith.select %eq3A_168, %broadcast_in_dim3A, %broadcast_in_dim3A_170 : vector<16xi1>, vector<16xf32>
        %jit3A_172 = arith.constant 1.000000e+00 : f32
        %broadcast_in_dim3A_173 = vector.broadcast %jit3A_172 : f32 to vector<16xf32>
        %select_n3A_174 = arith.select %le3A_166, %broadcast_in_dim3A_173, %select_n3A_171 : vector<16xi1>, vector<16xf32>
        %lt3A_175 = arith.constant 0 : i32
        %lt3A_176 = vector.broadcast %lt3A_175 : i32 to vector<16xi32>
        %lt3A_177 = arith.cmpi slt, %add3A_38, %lt3A_176 : vector<16xi32>
        %add3A_178 = arith.constant 16 : i32
        %add3A_179 = vector.broadcast %add3A_178 : i32 to vector<16xi32>
        %add3A_180 = arith.addi %add3A_38, %add3A_179 : vector<16xi32>
        %select_n3A_181 = arith.select %lt3A_177, %add3A_180, %add3A_38 : vector<16xi1>, vector<16xi32>
        %reshape3A_182 = vector.shape_cast %select_n3A_181 : vector<16xi32> to vector<16x1xi32>
        %gather3A_183 = vector.shape_cast %reshape3A_182 : vector<16x1xi32> to vector<16xi32>
        %gather3A_184 = tpu.dynamic_gather %get3A_133[%gather3A_183] in [0] : vector<16xi32>, vector<16xi32> -> vector<16xi32>
        %sub3A_185 = arith.constant 1 : i32
        %sub3A_186 = vector.broadcast %sub3A_185 : i32 to vector<16xi32>
        %sub3A_187 = arith.subi %gather3A_184, %sub3A_186 : vector<16xi32>
        %jit3A_188 = arith.constant 1 : i32
        %jit3A_189 = arith.constant 5 : i32
        %max3A = vector.broadcast %jit3A_188 : i32 to vector<16xi32>
        %max3A_190 = arith.maxsi %max3A, %sub3A_187 : vector<16xi32>
        %min3A_191 = vector.broadcast %jit3A_189 : i32 to vector<16xi32>
        %min3A_192 = arith.minsi %min3A_191, %max3A_190 : vector<16xi32>
        %eq3A_193 = arith.constant 1 : i32
        %eq3A_194 = vector.broadcast %eq3A_193 : i32 to vector<16xi32>
        %eq3A_195 = arith.cmpi eq, %min3A_192, %eq3A_194 : vector<16xi32>
        %eq3A_196 = arith.constant 2 : i32
        %eq3A_197 = vector.broadcast %eq3A_196 : i32 to vector<16xi32>
        %eq3A_198 = arith.cmpi eq, %min3A_192, %eq3A_197 : vector<16xi32>
        %eq3A_199 = arith.constant 3 : i32
        %eq3A_200 = vector.broadcast %eq3A_199 : i32 to vector<16xi32>
        %eq3A_201 = arith.cmpi eq, %min3A_192, %eq3A_200 : vector<16xi32>
        %eq3A_202 = arith.constant 4 : i32
        %eq3A_203 = vector.broadcast %eq3A_202 : i32 to vector<16xi32>
        %eq3A_204 = arith.cmpi eq, %min3A_192, %eq3A_203 : vector<16xi32>
        %jit3A_205 = arith.constant 2.500000e-01 : f32
        %jit3A_206 = arith.constant 2.000000e-01 : f32
        %broadcast_in_dim3A_207 = vector.broadcast %jit3A_205 : f32 to vector<16xf32>
        %broadcast_in_dim3A_208 = vector.broadcast %jit3A_206 : f32 to vector<16xf32>
        %select_n3A_209 = arith.select %eq3A_204, %broadcast_in_dim3A_207, %broadcast_in_dim3A_208 : vector<16xi1>, vector<16xf32>
        %jit3A_210 = arith.constant 0.333333343 : f32
        %broadcast_in_dim3A_211 = vector.broadcast %jit3A_210 : f32 to vector<16xf32>
        %select_n3A_212 = arith.select %eq3A_201, %broadcast_in_dim3A_211, %select_n3A_209 : vector<16xi1>, vector<16xf32>
        %jit3A_213 = arith.constant 5.000000e-01 : f32
        %broadcast_in_dim3A_214 = vector.broadcast %jit3A_213 : f32 to vector<16xf32>
        %select_n3A_215 = arith.select %eq3A_198, %broadcast_in_dim3A_214, %select_n3A_212 : vector<16xi1>, vector<16xf32>
        %jit3A_216 = arith.constant 1.000000e+00 : f32
        %broadcast_in_dim3A_217 = vector.broadcast %jit3A_216 : f32 to vector<16xf32>
        %select_n3A_218 = arith.select %eq3A_195, %broadcast_in_dim3A_217, %select_n3A_215 : vector<16xi1>, vector<16xf32>
        %eq3A_219 = arith.constant 15 : i32
        %eq3A_220 = vector.broadcast %eq3A_219 : i32 to vector<16xi32>
        %eq3A_221 = arith.cmpi eq, %iota3A, %eq3A_220 : vector<16xi32>
        %mul3A_222 = arith.mulf %select_n3A_174, %select_n3A_218 : vector<16xf32>
        %jit3A_223 = arith.constant 1.000000e+00 : f32
        %broadcast_in_dim3A_224 = vector.broadcast %jit3A_223 : f32 to vector<16xf32>
        %select_n3A_225 = arith.select %eq3A_221, %broadcast_in_dim3A_224, %mul3A_222 : vector<16xi1>, vector<16xf32>
        %add3A_226 = arith.addi %get3A_133, %mul3A_15 : vector<16xi32>
        %mul3A_227 = arith.constant 16 : i32
        %mul3A_228 = vector.broadcast %mul3A_227 : i32 to vector<16xi32>
        %mul3A_229 = arith.muli %add3A_226, %mul3A_228 : vector<16xi32>
        %slice3A = vector.extract_strided_slice %mul3A_229 {offsets = [0], sizes = [1], strides = [1]} : vector<16xi32> to vector<1xi32>
        %squeeze3A = vector.extract %slice3A[0] : i32 from vector<1xi32>
        %get3A_230 = arith.index_cast %squeeze3A : i32 to index
        %get3A_231 = tpu.vector_load %arg5[%get3A_230] {strides = array<i32>} : memref<49232xi32, #tpu.memory_space<vmem>>, vector<16xi32>,
        %bitcast3A = vector.bitcast %get3A_231 : vector<16xi32> to vector<32xbf16>
        %mul3A_232 = arith.constant 0 : i32
        %mul3A_233 = vector.broadcast %mul3A_232 : i32 to vector<16xi32>
        %mul3A_234 = arith.muli %iota3A, %mul3A_233 : vector<16xi32>
        %add3A_235 = arith.constant 0 : i32
        %add3A_236 = vector.broadcast %add3A_235 : i32 to vector<16xi32>
        %add3A_237 = arith.addi %mul3A_234, %add3A_236 : vector<16xi32>
        %lt3A_238 = arith.constant 0 : i32
        %lt3A_239 = vector.broadcast %lt3A_238 : i32 to vector<16xi32>
        %lt3A_240 = arith.cmpi slt, %add3A_237, %lt3A_239 : vector<16xi32>
        %add3A_241 = arith.constant 16 : i32
        %add3A_242 = vector.broadcast %add3A_241 : i32 to vector<16xi32>
        %add3A_243 = arith.addi %add3A_237, %add3A_242 : vector<16xi32>
        %select_n3A_244 = arith.select %lt3A_240, %add3A_243, %add3A_237 : vector<16xi1>, vector<16xi32>
        %reshape3A_245 = vector.shape_cast %select_n3A_244 : vector<16xi32> to vector<16x1xi32>
        %gather3A_246 = vector.shape_cast %reshape3A_245 : vector<16x1xi32> to vector<16xi32>
        %gather3A_247 = tpu.dynamic_gather %select_n3A_225[%gather3A_246] in [0] : vector<16xf32>, vector<16xi32> -> vector<16xf32>
        %pack3A = tpu.pack_subelements %gather3A_247, %gather3A_247 {pack_format = #tpu.pack_format<interleaved>, positions = array<i32: 0, 1>} : vector<16xf32>, vector<16xf32> -> vector<32xbf16>
        %mul3A_248 = arith.mulf %bitcast3A, %pack3A : vector<32xbf16>
        %slice3A_249 = vector.extract_strided_slice %mul3A_229 {offsets = [1], sizes = [1], strides = [1]} : vector<16xi32> to vector<1xi32>
        %squeeze3A_250 = vector.extract %slice3A_249[0] : i32 from vector<1xi32>
        %get3A_251 = arith.index_cast %squeeze3A_250 : i32 to index
        %get3A_252 = tpu.vector_load %arg5[%get3A_251] {strides = array<i32>} : memref<49232xi32, #tpu.memory_space<vmem>>, vector<16xi32>,
        %bitcast3A_253 = vector.bitcast %get3A_252 : vector<16xi32> to vector<32xbf16>
        %mul3A_254 = arith.constant 0 : i32
        %mul3A_255 = vector.broadcast %mul3A_254 : i32 to vector<16xi32>
        %mul3A_256 = arith.muli %iota3A, %mul3A_255 : vector<16xi32>
        %add3A_257 = arith.constant 1 : i32
        %add3A_258 = vector.broadcast %add3A_257 : i32 to vector<16xi32>
        %add3A_259 = arith.addi %mul3A_256, %add3A_258 : vector<16xi32>
        %lt3A_260 = arith.constant 0 : i32
        %lt3A_261 = vector.broadcast %lt3A_260 : i32 to vector<16xi32>
        %lt3A_262 = arith.cmpi slt, %add3A_259, %lt3A_261 : vector<16xi32>
        %add3A_263 = arith.constant 16 : i32
        %add3A_264 = vector.broadcast %add3A_263 : i32 to vector<16xi32>
        %add3A_265 = arith.addi %add3A_259, %add3A_264 : vector<16xi32>
        %select_n3A_266 = arith.select %lt3A_262, %add3A_265, %add3A_259 : vector<16xi1>, vector<16xi32>
        %reshape3A_267 = vector.shape_cast %select_n3A_266 : vector<16xi32> to vector<16x1xi32>
        %gather3A_268 = vector.shape_cast %reshape3A_267 : vector<16x1xi32> to vector<16xi32>
        %gather3A_269 = tpu.dynamic_gather %select_n3A_225[%gather3A_268] in [0] : vector<16xf32>, vector<16xi32> -> vector<16xf32>
        %pack3A_270 = tpu.pack_subelements %gather3A_269, %gather3A_269 {pack_format = #tpu.pack_format<interleaved>, positions = array<i32: 0, 1>} : vector<16xf32>, vector<16xf32> -> vector<32xbf16>
        %mul3A_271 = arith.mulf %bitcast3A_253, %pack3A_270 : vector<32xbf16>
        %add3A_272 = arith.addf %mul3A_248, %mul3A_271 : vector<32xbf16>
        %slice3A_273 = vector.extract_strided_slice %mul3A_229 {offsets = [2], sizes = [1], strides = [1]} : vector<16xi32> to vector<1xi32>
        %squeeze3A_274 = vector.extract %slice3A_273[0] : i32 from vector<1xi32>
        %get3A_275 = arith.index_cast %squeeze3A_274 : i32 to index
        %get3A_276 = tpu.vector_load %arg5[%get3A_275] {strides = array<i32>} : memref<49232xi32, #tpu.memory_space<vmem>>, vector<16xi32>,
        %bitcast3A_277 = vector.bitcast %get3A_276 : vector<16xi32> to vector<32xbf16>
        %mul3A_278 = arith.constant 0 : i32
        %mul3A_279 = vector.broadcast %mul3A_278 : i32 to vector<16xi32>
        %mul3A_280 = arith.muli %iota3A, %mul3A_279 : vector<16xi32>
        %add3A_281 = arith.constant 2 : i32
        %add3A_282 = vector.broadcast %add3A_281 : i32 to vector<16xi32>
        %add3A_283 = arith.addi %mul3A_280, %add3A_282 : vector<16xi32>
        %lt3A_284 = arith.constant 0 : i32
        %lt3A_285 = vector.broadcast %lt3A_284 : i32 to vector<16xi32>
        %lt3A_286 = arith.cmpi slt, %add3A_283, %lt3A_285 : vector<16xi32>
        %add3A_287 = arith.constant 16 : i32
        %add3A_288 = vector.broadcast %add3A_287 : i32 to vector<16xi32>
        %add3A_289 = arith.addi %add3A_283, %add3A_288 : vector<16xi32>
        %select_n3A_290 = arith.select %lt3A_286, %add3A_289, %add3A_283 : vector<16xi1>, vector<16xi32>
        %reshape3A_291 = vector.shape_cast %select_n3A_290 : vector<16xi32> to vector<16x1xi32>
        %gather3A_292 = vector.shape_cast %reshape3A_291 : vector<16x1xi32> to vector<16xi32>
        %gather3A_293 = tpu.dynamic_gather %select_n3A_225[%gather3A_292] in [0] : vector<16xf32>, vector<16xi32> -> vector<16xf32>
        %pack3A_294 = tpu.pack_subelements %gather3A_293, %gather3A_293 {pack_format = #tpu.pack_format<interleaved>, positions = array<i32: 0, 1>} : vector<16xf32>, vector<16xf32> -> vector<32xbf16>
        %mul3A_295 = arith.mulf %bitcast3A_277, %pack3A_294 : vector<32xbf16>
        %add3A_296 = arith.addf %add3A_272, %mul3A_295 : vector<32xbf16>
        %slice3A_297 = vector.extract_strided_slice %mul3A_229 {offsets = [3], sizes = [1], strides = [1]} : vector<16xi32> to vector<1xi32>
        %squeeze3A_298 = vector.extract %slice3A_297[0] : i32 from vector<1xi32>
        %get3A_299 = arith.index_cast %squeeze3A_298 : i32 to index
        %get3A_300 = tpu.vector_load %arg5[%get3A_299] {strides = array<i32>} : memref<49232xi32, #tpu.memory_space<vmem>>, vector<16xi32>,
        %bitcast3A_301 = vector.bitcast %get3A_300 : vector<16xi32> to vector<32xbf16>
        %mul3A_302 = arith.constant 0 : i32
        %mul3A_303 = vector.broadcast %mul3A_302 : i32 to vector<16xi32>
        %mul3A_304 = arith.muli %iota3A, %mul3A_303 : vector<16xi32>
        %add3A_305 = arith.constant 3 : i32
        %add3A_306 = vector.broadcast %add3A_305 : i32 to vector<16xi32>
        %add3A_307 = arith.addi %mul3A_304, %add3A_306 : vector<16xi32>
        %lt3A_308 = arith.constant 0 : i32
        %lt3A_309 = vector.broadcast %lt3A_308 : i32 to vector<16xi32>
        %lt3A_310 = arith.cmpi slt, %add3A_307, %lt3A_309 : vector<16xi32>
        %add3A_311 = arith.constant 16 : i32
        %add3A_312 = vector.broadcast %add3A_311 : i32 to vector<16xi32>
        %add3A_313 = arith.addi %add3A_307, %add3A_312 : vector<16xi32>
        %select_n3A_314 = arith.select %lt3A_310, %add3A_313, %add3A_307 : vector<16xi1>, vector<16xi32>
        %reshape3A_315 = vector.shape_cast %select_n3A_314 : vector<16xi32> to vector<16x1xi32>
        %gather3A_316 = vector.shape_cast %reshape3A_315 : vector<16x1xi32> to vector<16xi32>
        %gather3A_317 = tpu.dynamic_gather %select_n3A_225[%gather3A_316] in [0] : vector<16xf32>, vector<16xi32> -> vector<16xf32>
        %pack3A_318 = tpu.pack_subelements %gather3A_317, %gather3A_317 {pack_format = #tpu.pack_format<interleaved>, positions = array<i32: 0, 1>} : vector<16xf32>, vector<16xf32> -> vector<32xbf16>
        %mul3A_319 = arith.mulf %bitcast3A_301, %pack3A_318 : vector<32xbf16>
        %add3A_320 = arith.addf %add3A_296, %mul3A_319 : vector<32xbf16>
        %slice3A_321 = vector.extract_strided_slice %mul3A_229 {offsets = [4], sizes = [1], strides = [1]} : vector<16xi32> to vector<1xi32>
        %squeeze3A_322 = vector.extract %slice3A_321[0] : i32 from vector<1xi32>
        %get3A_323 = arith.index_cast %squeeze3A_322 : i32 to index
        %get3A_324 = tpu.vector_load %arg5[%get3A_323] {strides = array<i32>} : memref<49232xi32, #tpu.memory_space<vmem>>, vector<16xi32>,
        %bitcast3A_325 = vector.bitcast %get3A_324 : vector<16xi32> to vector<32xbf16>
        %mul3A_326 = arith.constant 0 : i32
        %mul3A_327 = vector.broadcast %mul3A_326 : i32 to vector<16xi32>
        %mul3A_328 = arith.muli %iota3A, %mul3A_327 : vector<16xi32>
        %add3A_329 = arith.constant 4 : i32
        %add3A_330 = vector.broadcast %add3A_329 : i32 to vector<16xi32>
        %add3A_331 = arith.addi %mul3A_328, %add3A_330 : vector<16xi32>
        %lt3A_332 = arith.constant 0 : i32
        %lt3A_333 = vector.broadcast %lt3A_332 : i32 to vector<16xi32>
        %lt3A_334 = arith.cmpi slt, %add3A_331, %lt3A_333 : vector<16xi32>
        %add3A_335 = arith.constant 16 : i32
        %add3A_336 = vector.broadcast %add3A_335 : i32 to vector<16xi32>
        %add3A_337 = arith.addi %add3A_331, %add3A_336 : vector<16xi32>
        %select_n3A_338 = arith.select %lt3A_334, %add3A_337, %add3A_331 : vector<16xi1>, vector<16xi32>
        %reshape3A_339 = vector.shape_cast %select_n3A_338 : vector<16xi32> to vector<16x1xi32>
        %gather3A_340 = vector.shape_cast %reshape3A_339 : vector<16x1xi32> to vector<16xi32>
        %gather3A_341 = tpu.dynamic_gather %select_n3A_225[%gather3A_340] in [0] : vector<16xf32>, vector<16xi32> -> vector<16xf32>
        %pack3A_342 = tpu.pack_subelements %gather3A_341, %gather3A_341 {pack_format = #tpu.pack_format<interleaved>, positions = array<i32: 0, 1>} : vector<16xf32>, vector<16xf32> -> vector<32xbf16>
        %mul3A_343 = arith.mulf %bitcast3A_325, %pack3A_342 : vector<32xbf16>
        %add3A_344 = arith.addf %add3A_320, %mul3A_343 : vector<32xbf16>
        %slice3A_345 = vector.extract_strided_slice %mul3A_229 {offsets = [5], sizes = [1], strides = [1]} : vector<16xi32> to vector<1xi32>
        %squeeze3A_346 = vector.extract %slice3A_345[0] : i32 from vector<1xi32>
        %get3A_347 = arith.index_cast %squeeze3A_346 : i32 to index
        %get3A_348 = tpu.vector_load %arg5[%get3A_347] {strides = array<i32>} : memref<49232xi32, #tpu.memory_space<vmem>>, vector<16xi32>,
        %bitcast3A_349 = vector.bitcast %get3A_348 : vector<16xi32> to vector<32xbf16>
        %mul3A_350 = arith.constant 0 : i32
        %mul3A_351 = vector.broadcast %mul3A_350 : i32 to vector<16xi32>
        %mul3A_352 = arith.muli %iota3A, %mul3A_351 : vector<16xi32>
        %add3A_353 = arith.constant 5 : i32
        %add3A_354 = vector.broadcast %add3A_353 : i32 to vector<16xi32>
        %add3A_355 = arith.addi %mul3A_352, %add3A_354 : vector<16xi32>
        %lt3A_356 = arith.constant 0 : i32
        %lt3A_357 = vector.broadcast %lt3A_356 : i32 to vector<16xi32>
        %lt3A_358 = arith.cmpi slt, %add3A_355, %lt3A_357 : vector<16xi32>
        %add3A_359 = arith.constant 16 : i32
        %add3A_360 = vector.broadcast %add3A_359 : i32 to vector<16xi32>
        %add3A_361 = arith.addi %add3A_355, %add3A_360 : vector<16xi32>
        %select_n3A_362 = arith.select %lt3A_358, %add3A_361, %add3A_355 : vector<16xi1>, vector<16xi32>
        %reshape3A_363 = vector.shape_cast %select_n3A_362 : vector<16xi32> to vector<16x1xi32>
        %gather3A_364 = vector.shape_cast %reshape3A_363 : vector<16x1xi32> to vector<16xi32>
        %gather3A_365 = tpu.dynamic_gather %select_n3A_225[%gather3A_364] in [0] : vector<16xf32>, vector<16xi32> -> vector<16xf32>
        %pack3A_366 = tpu.pack_subelements %gather3A_365, %gather3A_365 {pack_format = #tpu.pack_format<interleaved>, positions = array<i32: 0, 1>} : vector<16xf32>, vector<16xf32> -> vector<32xbf16>
        %mul3A_367 = arith.mulf %bitcast3A_349, %pack3A_366 : vector<32xbf16>
        %add3A_368 = arith.addf %add3A_344, %mul3A_367 : vector<32xbf16>
        %slice3A_369 = vector.extract_strided_slice %mul3A_229 {offsets = [6], sizes = [1], strides = [1]} : vector<16xi32> to vector<1xi32>
        %squeeze3A_370 = vector.extract %slice3A_369[0] : i32 from vector<1xi32>
        %get3A_371 = arith.index_cast %squeeze3A_370 : i32 to index
        %get3A_372 = tpu.vector_load %arg5[%get3A_371] {strides = array<i32>} : memref<49232xi32, #tpu.memory_space<vmem>>, vector<16xi32>,
        %bitcast3A_373 = vector.bitcast %get3A_372 : vector<16xi32> to vector<32xbf16>
        %mul3A_374 = arith.constant 0 : i32
        %mul3A_375 = vector.broadcast %mul3A_374 : i32 to vector<16xi32>
        %mul3A_376 = arith.muli %iota3A, %mul3A_375 : vector<16xi32>
        %add3A_377 = arith.constant 6 : i32
        %add3A_378 = vector.broadcast %add3A_377 : i32 to vector<16xi32>
        %add3A_379 = arith.addi %mul3A_376, %add3A_378 : vector<16xi32>
        %lt3A_380 = arith.constant 0 : i32
        %lt3A_381 = vector.broadcast %lt3A_380 : i32 to vector<16xi32>
        %lt3A_382 = arith.cmpi slt, %add3A_379, %lt3A_381 : vector<16xi32>
        %add3A_383 = arith.constant 16 : i32
        %add3A_384 = vector.broadcast %add3A_383 : i32 to vector<16xi32>
        %add3A_385 = arith.addi %add3A_379, %add3A_384 : vector<16xi32>
        %select_n3A_386 = arith.select %lt3A_382, %add3A_385, %add3A_379 : vector<16xi1>, vector<16xi32>
        %reshape3A_387 = vector.shape_cast %select_n3A_386 : vector<16xi32> to vector<16x1xi32>
        %gather3A_388 = vector.shape_cast %reshape3A_387 : vector<16x1xi32> to vector<16xi32>
        %gather3A_389 = tpu.dynamic_gather %select_n3A_225[%gather3A_388] in [0] : vector<16xf32>, vector<16xi32> -> vector<16xf32>
        %pack3A_390 = tpu.pack_subelements %gather3A_389, %gather3A_389 {pack_format = #tpu.pack_format<interleaved>, positions = array<i32: 0, 1>} : vector<16xf32>, vector<16xf32> -> vector<32xbf16>
        %mul3A_391 = arith.mulf %bitcast3A_373, %pack3A_390 : vector<32xbf16>
        %add3A_392 = arith.addf %add3A_368, %mul3A_391 : vector<32xbf16>
        %slice3A_393 = vector.extract_strided_slice %mul3A_229 {offsets = [7], sizes = [1], strides = [1]} : vector<16xi32> to vector<1xi32>
        %squeeze3A_394 = vector.extract %slice3A_393[0] : i32 from vector<1xi32>
        %get3A_395 = arith.index_cast %squeeze3A_394 : i32 to index
        %get3A_396 = tpu.vector_load %arg5[%get3A_395] {strides = array<i32>} : memref<49232xi32, #tpu.memory_space<vmem>>, vector<16xi32>,
        %bitcast3A_397 = vector.bitcast %get3A_396 : vector<16xi32> to vector<32xbf16>
        %mul3A_398 = arith.constant 0 : i32
        %mul3A_399 = vector.broadcast %mul3A_398 : i32 to vector<16xi32>
        %mul3A_400 = arith.muli %iota3A, %mul3A_399 : vector<16xi32>
        %add3A_401 = arith.constant 7 : i32
        %add3A_402 = vector.broadcast %add3A_401 : i32 to vector<16xi32>
        %add3A_403 = arith.addi %mul3A_400, %add3A_402 : vector<16xi32>
        %lt3A_404 = arith.constant 0 : i32
        %lt3A_405 = vector.broadcast %lt3A_404 : i32 to vector<16xi32>
        %lt3A_406 = arith.cmpi slt, %add3A_403, %lt3A_405 : vector<16xi32>
        %add3A_407 = arith.constant 16 : i32
        %add3A_408 = vector.broadcast %add3A_407 : i32 to vector<16xi32>
        %add3A_409 = arith.addi %add3A_403, %add3A_408 : vector<16xi32>
        %select_n3A_410 = arith.select %lt3A_406, %add3A_409, %add3A_403 : vector<16xi1>, vector<16xi32>
        %reshape3A_411 = vector.shape_cast %select_n3A_410 : vector<16xi32> to vector<16x1xi32>
        %gather3A_412 = vector.shape_cast %reshape3A_411 : vector<16x1xi32> to vector<16xi32>
        %gather3A_413 = tpu.dynamic_gather %select_n3A_225[%gather3A_412] in [0] : vector<16xf32>, vector<16xi32> -> vector<16xf32>
        %pack3A_414 = tpu.pack_subelements %gather3A_413, %gather3A_413 {pack_format = #tpu.pack_format<interleaved>, positions = array<i32: 0, 1>} : vector<16xf32>, vector<16xf32> -> vector<32xbf16>
        %mul3A_415 = arith.mulf %bitcast3A_397, %pack3A_414 : vector<32xbf16>
        %add3A_416 = arith.addf %add3A_392, %mul3A_415 : vector<32xbf16>
        %slice3A_417 = vector.extract_strided_slice %mul3A_229 {offsets = [8], sizes = [1], strides = [1]} : vector<16xi32> to vector<1xi32>
        %squeeze3A_418 = vector.extract %slice3A_417[0] : i32 from vector<1xi32>
        %get3A_419 = arith.index_cast %squeeze3A_418 : i32 to index
        %get3A_420 = tpu.vector_load %arg5[%get3A_419] {strides = array<i32>} : memref<49232xi32, #tpu.memory_space<vmem>>, vector<16xi32>,
        %bitcast3A_421 = vector.bitcast %get3A_420 : vector<16xi32> to vector<32xbf16>
        %mul3A_422 = arith.constant 0 : i32
        %mul3A_423 = vector.broadcast %mul3A_422 : i32 to vector<16xi32>
        %mul3A_424 = arith.muli %iota3A, %mul3A_423 : vector<16xi32>
        %add3A_425 = arith.constant 8 : i32
        %add3A_426 = vector.broadcast %add3A_425 : i32 to vector<16xi32>
        %add3A_427 = arith.addi %mul3A_424, %add3A_426 : vector<16xi32>
        %lt3A_428 = arith.constant 0 : i32
        %lt3A_429 = vector.broadcast %lt3A_428 : i32 to vector<16xi32>
        %lt3A_430 = arith.cmpi slt, %add3A_427, %lt3A_429 : vector<16xi32>
        %add3A_431 = arith.constant 16 : i32
        %add3A_432 = vector.broadcast %add3A_431 : i32 to vector<16xi32>
        %add3A_433 = arith.addi %add3A_427, %add3A_432 : vector<16xi32>
        %select_n3A_434 = arith.select %lt3A_430, %add3A_433, %add3A_427 : vector<16xi1>, vector<16xi32>
        %reshape3A_435 = vector.shape_cast %select_n3A_434 : vector<16xi32> to vector<16x1xi32>
        %gather3A_436 = vector.shape_cast %reshape3A_435 : vector<16x1xi32> to vector<16xi32>
        %gather3A_437 = tpu.dynamic_gather %select_n3A_225[%gather3A_436] in [0] : vector<16xf32>, vector<16xi32> -> vector<16xf32>
        %pack3A_438 = tpu.pack_subelements %gather3A_437, %gather3A_437 {pack_format = #tpu.pack_format<interleaved>, positions = array<i32: 0, 1>} : vector<16xf32>, vector<16xf32> -> vector<32xbf16>
        %mul3A_439 = arith.mulf %bitcast3A_421, %pack3A_438 : vector<32xbf16>
        %add3A_440 = arith.addf %add3A_416, %mul3A_439 : vector<32xbf16>
        %slice3A_441 = vector.extract_strided_slice %mul3A_229 {offsets = [9], sizes = [1], strides = [1]} : vector<16xi32> to vector<1xi32>
        %squeeze3A_442 = vector.extract %slice3A_441[0] : i32 from vector<1xi32>
        %get3A_443 = arith.index_cast %squeeze3A_442 : i32 to index
        %get3A_444 = tpu.vector_load %arg5[%get3A_443] {strides = array<i32>} : memref<49232xi32, #tpu.memory_space<vmem>>, vector<16xi32>,
        %bitcast3A_445 = vector.bitcast %get3A_444 : vector<16xi32> to vector<32xbf16>
        %mul3A_446 = arith.constant 0 : i32
        %mul3A_447 = vector.broadcast %mul3A_446 : i32 to vector<16xi32>
        %mul3A_448 = arith.muli %iota3A, %mul3A_447 : vector<16xi32>
        %add3A_449 = arith.constant 9 : i32
        %add3A_450 = vector.broadcast %add3A_449 : i32 to vector<16xi32>
        %add3A_451 = arith.addi %mul3A_448, %add3A_450 : vector<16xi32>
        %lt3A_452 = arith.constant 0 : i32
        %lt3A_453 = vector.broadcast %lt3A_452 : i32 to vector<16xi32>
        %lt3A_454 = arith.cmpi slt, %add3A_451, %lt3A_453 : vector<16xi32>
        %add3A_455 = arith.constant 16 : i32
        %add3A_456 = vector.broadcast %add3A_455 : i32 to vector<16xi32>
        %add3A_457 = arith.addi %add3A_451, %add3A_456 : vector<16xi32>
        %select_n3A_458 = arith.select %lt3A_454, %add3A_457, %add3A_451 : vector<16xi1>, vector<16xi32>
        %reshape3A_459 = vector.shape_cast %select_n3A_458 : vector<16xi32> to vector<16x1xi32>
        %gather3A_460 = vector.shape_cast %reshape3A_459 : vector<16x1xi32> to vector<16xi32>
        %gather3A_461 = tpu.dynamic_gather %select_n3A_225[%gather3A_460] in [0] : vector<16xf32>, vector<16xi32> -> vector<16xf32>
        %pack3A_462 = tpu.pack_subelements %gather3A_461, %gather3A_461 {pack_format = #tpu.pack_format<interleaved>, positions = array<i32: 0, 1>} : vector<16xf32>, vector<16xf32> -> vector<32xbf16>
        %mul3A_463 = arith.mulf %bitcast3A_445, %pack3A_462 : vector<32xbf16>
        %add3A_464 = arith.addf %add3A_440, %mul3A_463 : vector<32xbf16>
        %slice3A_465 = vector.extract_strided_slice %mul3A_229 {offsets = [10], sizes = [1], strides = [1]} : vector<16xi32> to vector<1xi32>
        %squeeze3A_466 = vector.extract %slice3A_465[0] : i32 from vector<1xi32>
        %get3A_467 = arith.index_cast %squeeze3A_466 : i32 to index
        %get3A_468 = tpu.vector_load %arg5[%get3A_467] {strides = array<i32>} : memref<49232xi32, #tpu.memory_space<vmem>>, vector<16xi32>,
        %bitcast3A_469 = vector.bitcast %get3A_468 : vector<16xi32> to vector<32xbf16>
        %mul3A_470 = arith.constant 0 : i32
        %mul3A_471 = vector.broadcast %mul3A_470 : i32 to vector<16xi32>
        %mul3A_472 = arith.muli %iota3A, %mul3A_471 : vector<16xi32>
        %add3A_473 = arith.constant 10 : i32
        %add3A_474 = vector.broadcast %add3A_473 : i32 to vector<16xi32>
        %add3A_475 = arith.addi %mul3A_472, %add3A_474 : vector<16xi32>
        %lt3A_476 = arith.constant 0 : i32
        %lt3A_477 = vector.broadcast %lt3A_476 : i32 to vector<16xi32>
        %lt3A_478 = arith.cmpi slt, %add3A_475, %lt3A_477 : vector<16xi32>
        %add3A_479 = arith.constant 16 : i32
        %add3A_480 = vector.broadcast %add3A_479 : i32 to vector<16xi32>
        %add3A_481 = arith.addi %add3A_475, %add3A_480 : vector<16xi32>
        %select_n3A_482 = arith.select %lt3A_478, %add3A_481, %add3A_475 : vector<16xi1>, vector<16xi32>
        %reshape3A_483 = vector.shape_cast %select_n3A_482 : vector<16xi32> to vector<16x1xi32>
        %gather3A_484 = vector.shape_cast %reshape3A_483 : vector<16x1xi32> to vector<16xi32>
        %gather3A_485 = tpu.dynamic_gather %select_n3A_225[%gather3A_484] in [0] : vector<16xf32>, vector<16xi32> -> vector<16xf32>
        %pack3A_486 = tpu.pack_subelements %gather3A_485, %gather3A_485 {pack_format = #tpu.pack_format<interleaved>, positions = array<i32: 0, 1>} : vector<16xf32>, vector<16xf32> -> vector<32xbf16>
        %mul3A_487 = arith.mulf %bitcast3A_469, %pack3A_486 : vector<32xbf16>
        %add3A_488 = arith.addf %add3A_464, %mul3A_487 : vector<32xbf16>
        %slice3A_489 = vector.extract_strided_slice %mul3A_229 {offsets = [11], sizes = [1], strides = [1]} : vector<16xi32> to vector<1xi32>
        %squeeze3A_490 = vector.extract %slice3A_489[0] : i32 from vector<1xi32>
        %get3A_491 = arith.index_cast %squeeze3A_490 : i32 to index
        %get3A_492 = tpu.vector_load %arg5[%get3A_491] {strides = array<i32>} : memref<49232xi32, #tpu.memory_space<vmem>>, vector<16xi32>,
        %bitcast3A_493 = vector.bitcast %get3A_492 : vector<16xi32> to vector<32xbf16>
        %mul3A_494 = arith.constant 0 : i32
        %mul3A_495 = vector.broadcast %mul3A_494 : i32 to vector<16xi32>
        %mul3A_496 = arith.muli %iota3A, %mul3A_495 : vector<16xi32>
        %add3A_497 = arith.constant 11 : i32
        %add3A_498 = vector.broadcast %add3A_497 : i32 to vector<16xi32>
        %add3A_499 = arith.addi %mul3A_496, %add3A_498 : vector<16xi32>
        %lt3A_500 = arith.constant 0 : i32
        %lt3A_501 = vector.broadcast %lt3A_500 : i32 to vector<16xi32>
        %lt3A_502 = arith.cmpi slt, %add3A_499, %lt3A_501 : vector<16xi32>
        %add3A_503 = arith.constant 16 : i32
        %add3A_504 = vector.broadcast %add3A_503 : i32 to vector<16xi32>
        %add3A_505 = arith.addi %add3A_499, %add3A_504 : vector<16xi32>
        %select_n3A_506 = arith.select %lt3A_502, %add3A_505, %add3A_499 : vector<16xi1>, vector<16xi32>
        %reshape3A_507 = vector.shape_cast %select_n3A_506 : vector<16xi32> to vector<16x1xi32>
        %gather3A_508 = vector.shape_cast %reshape3A_507 : vector<16x1xi32> to vector<16xi32>
        %gather3A_509 = tpu.dynamic_gather %select_n3A_225[%gather3A_508] in [0] : vector<16xf32>, vector<16xi32> -> vector<16xf32>
        %pack3A_510 = tpu.pack_subelements %gather3A_509, %gather3A_509 {pack_format = #tpu.pack_format<interleaved>, positions = array<i32: 0, 1>} : vector<16xf32>, vector<16xf32> -> vector<32xbf16>
        %mul3A_511 = arith.mulf %bitcast3A_493, %pack3A_510 : vector<32xbf16>
        %add3A_512 = arith.addf %add3A_488, %mul3A_511 : vector<32xbf16>
        %slice3A_513 = vector.extract_strided_slice %mul3A_229 {offsets = [12], sizes = [1], strides = [1]} : vector<16xi32> to vector<1xi32>
        %squeeze3A_514 = vector.extract %slice3A_513[0] : i32 from vector<1xi32>
        %get3A_515 = arith.index_cast %squeeze3A_514 : i32 to index
        %get3A_516 = tpu.vector_load %arg5[%get3A_515] {strides = array<i32>} : memref<49232xi32, #tpu.memory_space<vmem>>, vector<16xi32>,
        %bitcast3A_517 = vector.bitcast %get3A_516 : vector<16xi32> to vector<32xbf16>
        %mul3A_518 = arith.constant 0 : i32
        %mul3A_519 = vector.broadcast %mul3A_518 : i32 to vector<16xi32>
        %mul3A_520 = arith.muli %iota3A, %mul3A_519 : vector<16xi32>
        %add3A_521 = arith.constant 12 : i32
        %add3A_522 = vector.broadcast %add3A_521 : i32 to vector<16xi32>
        %add3A_523 = arith.addi %mul3A_520, %add3A_522 : vector<16xi32>
        %lt3A_524 = arith.constant 0 : i32
        %lt3A_525 = vector.broadcast %lt3A_524 : i32 to vector<16xi32>
        %lt3A_526 = arith.cmpi slt, %add3A_523, %lt3A_525 : vector<16xi32>
        %add3A_527 = arith.constant 16 : i32
        %add3A_528 = vector.broadcast %add3A_527 : i32 to vector<16xi32>
        %add3A_529 = arith.addi %add3A_523, %add3A_528 : vector<16xi32>
        %select_n3A_530 = arith.select %lt3A_526, %add3A_529, %add3A_523 : vector<16xi1>, vector<16xi32>
        %reshape3A_531 = vector.shape_cast %select_n3A_530 : vector<16xi32> to vector<16x1xi32>
        %gather3A_532 = vector.shape_cast %reshape3A_531 : vector<16x1xi32> to vector<16xi32>
        %gather3A_533 = tpu.dynamic_gather %select_n3A_225[%gather3A_532] in [0] : vector<16xf32>, vector<16xi32> -> vector<16xf32>
        %pack3A_534 = tpu.pack_subelements %gather3A_533, %gather3A_533 {pack_format = #tpu.pack_format<interleaved>, positions = array<i32: 0, 1>} : vector<16xf32>, vector<16xf32> -> vector<32xbf16>
        %mul3A_535 = arith.mulf %bitcast3A_517, %pack3A_534 : vector<32xbf16>
        %add3A_536 = arith.addf %add3A_512, %mul3A_535 : vector<32xbf16>
        %slice3A_537 = vector.extract_strided_slice %mul3A_229 {offsets = [13], sizes = [1], strides = [1]} : vector<16xi32> to vector<1xi32>
        %squeeze3A_538 = vector.extract %slice3A_537[0] : i32 from vector<1xi32>
        %get3A_539 = arith.index_cast %squeeze3A_538 : i32 to index
        %get3A_540 = tpu.vector_load %arg5[%get3A_539] {strides = array<i32>} : memref<49232xi32, #tpu.memory_space<vmem>>, vector<16xi32>,
        %bitcast3A_541 = vector.bitcast %get3A_540 : vector<16xi32> to vector<32xbf16>
        %mul3A_542 = arith.constant 0 : i32
        %mul3A_543 = vector.broadcast %mul3A_542 : i32 to vector<16xi32>
        %mul3A_544 = arith.muli %iota3A, %mul3A_543 : vector<16xi32>
        %add3A_545 = arith.constant 13 : i32
        %add3A_546 = vector.broadcast %add3A_545 : i32 to vector<16xi32>
        %add3A_547 = arith.addi %mul3A_544, %add3A_546 : vector<16xi32>
        %lt3A_548 = arith.constant 0 : i32
        %lt3A_549 = vector.broadcast %lt3A_548 : i32 to vector<16xi32>
        %lt3A_550 = arith.cmpi slt, %add3A_547, %lt3A_549 : vector<16xi32>
        %add3A_551 = arith.constant 16 : i32
        %add3A_552 = vector.broadcast %add3A_551 : i32 to vector<16xi32>
        %add3A_553 = arith.addi %add3A_547, %add3A_552 : vector<16xi32>
        %select_n3A_554 = arith.select %lt3A_550, %add3A_553, %add3A_547 : vector<16xi1>, vector<16xi32>
        %reshape3A_555 = vector.shape_cast %select_n3A_554 : vector<16xi32> to vector<16x1xi32>
        %gather3A_556 = vector.shape_cast %reshape3A_555 : vector<16x1xi32> to vector<16xi32>
        %gather3A_557 = tpu.dynamic_gather %select_n3A_225[%gather3A_556] in [0] : vector<16xf32>, vector<16xi32> -> vector<16xf32>
        %pack3A_558 = tpu.pack_subelements %gather3A_557, %gather3A_557 {pack_format = #tpu.pack_format<interleaved>, positions = array<i32: 0, 1>} : vector<16xf32>, vector<16xf32> -> vector<32xbf16>
        %mul3A_559 = arith.mulf %bitcast3A_541, %pack3A_558 : vector<32xbf16>
        %add3A_560 = arith.addf %add3A_536, %mul3A_559 : vector<32xbf16>
        %slice3A_561 = vector.extract_strided_slice %mul3A_229 {offsets = [14], sizes = [1], strides = [1]} : vector<16xi32> to vector<1xi32>
        %squeeze3A_562 = vector.extract %slice3A_561[0] : i32 from vector<1xi32>
        %get3A_563 = arith.index_cast %squeeze3A_562 : i32 to index
        %get3A_564 = tpu.vector_load %arg5[%get3A_563] {strides = array<i32>} : memref<49232xi32, #tpu.memory_space<vmem>>, vector<16xi32>,
        %bitcast3A_565 = vector.bitcast %get3A_564 : vector<16xi32> to vector<32xbf16>
        %mul3A_566 = arith.constant 0 : i32
        %mul3A_567 = vector.broadcast %mul3A_566 : i32 to vector<16xi32>
        %mul3A_568 = arith.muli %iota3A, %mul3A_567 : vector<16xi32>
        %add3A_569 = arith.constant 14 : i32
        %add3A_570 = vector.broadcast %add3A_569 : i32 to vector<16xi32>
        %add3A_571 = arith.addi %mul3A_568, %add3A_570 : vector<16xi32>
        %lt3A_572 = arith.constant 0 : i32
        %lt3A_573 = vector.broadcast %lt3A_572 : i32 to vector<16xi32>
        %lt3A_574 = arith.cmpi slt, %add3A_571, %lt3A_573 : vector<16xi32>
        %add3A_575 = arith.constant 16 : i32
        %add3A_576 = vector.broadcast %add3A_575 : i32 to vector<16xi32>
        %add3A_577 = arith.addi %add3A_571, %add3A_576 : vector<16xi32>
        %select_n3A_578 = arith.select %lt3A_574, %add3A_577, %add3A_571 : vector<16xi1>, vector<16xi32>
        %reshape3A_579 = vector.shape_cast %select_n3A_578 : vector<16xi32> to vector<16x1xi32>
        %gather3A_580 = vector.shape_cast %reshape3A_579 : vector<16x1xi32> to vector<16xi32>
        %gather3A_581 = tpu.dynamic_gather %select_n3A_225[%gather3A_580] in [0] : vector<16xf32>, vector<16xi32> -> vector<16xf32>
        %pack3A_582 = tpu.pack_subelements %gather3A_581, %gather3A_581 {pack_format = #tpu.pack_format<interleaved>, positions = array<i32: 0, 1>} : vector<16xf32>, vector<16xf32> -> vector<32xbf16>
        %mul3A_583 = arith.mulf %bitcast3A_565, %pack3A_582 : vector<32xbf16>
        %add3A_584 = arith.addf %add3A_560, %mul3A_583 : vector<32xbf16>
        %slice3A_585 = vector.extract_strided_slice %mul3A_229 {offsets = [15], sizes = [1], strides = [1]} : vector<16xi32> to vector<1xi32>
        %squeeze3A_586 = vector.extract %slice3A_585[0] : i32 from vector<1xi32>
        %get3A_587 = arith.index_cast %squeeze3A_586 : i32 to index
        %get3A_588 = tpu.vector_load %arg5[%get3A_587] {strides = array<i32>} : memref<49232xi32, #tpu.memory_space<vmem>>, vector<16xi32>,
        %bitcast3A_589 = vector.bitcast %get3A_588 : vector<16xi32> to vector<32xbf16>
        %mul3A_590 = arith.constant 0 : i32
        %mul3A_591 = vector.broadcast %mul3A_590 : i32 to vector<16xi32>
        %mul3A_592 = arith.muli %iota3A, %mul3A_591 : vector<16xi32>
        %add3A_593 = arith.constant 15 : i32
        %add3A_594 = vector.broadcast %add3A_593 : i32 to vector<16xi32>
        %add3A_595 = arith.addi %mul3A_592, %add3A_594 : vector<16xi32>
        %lt3A_596 = arith.constant 0 : i32
        %lt3A_597 = vector.broadcast %lt3A_596 : i32 to vector<16xi32>
        %lt3A_598 = arith.cmpi slt, %add3A_595, %lt3A_597 : vector<16xi32>
        %add3A_599 = arith.constant 16 : i32
        %add3A_600 = vector.broadcast %add3A_599 : i32 to vector<16xi32>
        %add3A_601 = arith.addi %add3A_595, %add3A_600 : vector<16xi32>
        %select_n3A_602 = arith.select %lt3A_598, %add3A_601, %add3A_595 : vector<16xi1>, vector<16xi32>
        %reshape3A_603 = vector.shape_cast %select_n3A_602 : vector<16xi32> to vector<16x1xi32>
        %gather3A_604 = vector.shape_cast %reshape3A_603 : vector<16x1xi32> to vector<16xi32>
        %gather3A_605 = tpu.dynamic_gather %select_n3A_225[%gather3A_604] in [0] : vector<16xf32>, vector<16xi32> -> vector<16xf32>
        %pack3A_606 = tpu.pack_subelements %gather3A_605, %gather3A_605 {pack_format = #tpu.pack_format<interleaved>, positions = array<i32: 0, 1>} : vector<16xf32>, vector<16xf32> -> vector<32xbf16>
        %mul3A_607 = arith.mulf %bitcast3A_589, %pack3A_606 : vector<32xbf16>
        %add3A_608 = arith.addf %add3A_584, %mul3A_607 : vector<32xbf16>
        %add3A_609 = vector.broadcast %scan3A_130 : i32 to vector<16xi32>
        %add3A_610 = arith.addi %mul3A_41, %add3A_609 : vector<16xi32>
        %bitcast3A_611 = vector.bitcast %add3A_608 : vector<32xbf16> to vector<16xi32>
        tpu.vector_store_idx %arg8[%add3A_610], %bitcast3A_611 : memref<2048xi32, #tpu.memory_space<vmem>>[vector<16xi32>], vector<16xi32>,
      }
      %scan3A_94 = arith.constant 128 : i32
      %dma_start3A_95 = arith.constant 0 : i32
      %dma_start3A_96 = tpu.memref_slice %arg4[%add3A_69, %dma_start3A_95] : memref<2048x2048xi32, #tpu.memory_space<hbm>> -> memref<1x2048xi32, #tpu.memory_space<hbm>>
      %dma_start3A_97 = tpu.memref_squeeze %dma_start3A_96 : memref<1x2048xi32, #tpu.memory_space<hbm>> -> memref<2048xi32, #tpu.memory_space<hbm>>
      %dma_start3A_98 = arith.constant 0 : i32
      %dma_start3A_99 = tpu.memref_slice %arg4[%add3A_69, %dma_start3A_98] : memref<2048x2048xi32, #tpu.memory_space<hbm>> -> memref<1x2048xi32, #tpu.memory_space<hbm>>
      %dma_start3A_100 = tpu.memref_squeeze %dma_start3A_99 : memref<1x2048xi32, #tpu.memory_space<hbm>> -> memref<2048xi32, #tpu.memory_space<hbm>>
      tpu.enqueue_dma source(%arg8 : memref<2048xi32, #tpu.memory_space<vmem>>) target(%dma_start3A_100 : memref<2048xi32, #tpu.memory_space<hbm>>) target_semaphore(%arg13 : memref<!tpu.dma_semaphore, #tpu.memory_space<semaphore_mem>>)
      %dma_wait3A_101 = arith.constant 0 : i32
      %dma_wait3A_102 = tpu.memref_slice %arg3[%add3A_71, %dma_wait3A_101] : memref<2048x2048xi32, #tpu.memory_space<hbm>> -> memref<1x2048xi32, #tpu.memory_space<hbm>>
      %dma_wait3A_103 = tpu.memref_squeeze %dma_wait3A_102 : memref<1x2048xi32, #tpu.memory_space<hbm>> -> memref<2048xi32, #tpu.memory_space<hbm>>
      %dma_wait3A_104 = arith.constant 0 : i32
      %dma_wait3A_105 = tpu.memref_slice %arg3[%add3A_71, %dma_wait3A_104] : memref<2048x2048xi32, #tpu.memory_space<hbm>> -> memref<1x2048xi32, #tpu.memory_space<hbm>>
      %dma_wait3A_106 = tpu.memref_squeeze %dma_wait3A_105 : memref<1x2048xi32, #tpu.memory_space<hbm>> -> memref<2048xi32, #tpu.memory_space<hbm>>
      tpu.wait_dma2 semaphore(%arg12 : memref<!tpu.dma_semaphore, #tpu.memory_space<semaphore_mem>>) src(%dma_wait3A_106 : memref<2048xi32, #tpu.memory_space<hbm>>) dst(%arg7 : memref<2048xi32, #tpu.memory_space<vmem>>)
      %dma_start3A_107 = arith.constant 0 : i32
      %dma_start3A_108 = tpu.memref_slice %arg3[%min3A_74, %dma_start3A_107] : memref<2048x2048xi32, #tpu.memory_space<hbm>> -> memref<1x2048xi32, #tpu.memory_space<hbm>>
      %dma_start3A_109 = tpu.memref_squeeze %dma_start3A_108 : memref<1x2048xi32, #tpu.memory_space<hbm>> -> memref<2048xi32, #tpu.memory_space<hbm>>
      %dma_start3A_110 = arith.constant 0 : i32
      %dma_start3A_111 = tpu.memref_slice %arg3[%min3A_74, %dma_start3A_110] : memref<2048x2048xi32, #tpu.memory_space<hbm>> -> memref<1x2048xi32, #tpu.memory_space<hbm>>
      %dma_start3A_112 = tpu.memref_squeeze %dma_start3A_111 : memref<1x2048xi32, #tpu.memory_space<hbm>> -> memref<2048xi32, #tpu.memory_space<hbm>>
      tpu.enqueue_dma source(%dma_start3A_112 : memref<2048xi32, #tpu.memory_space<hbm>>) target(%arg6 : memref<2048xi32, #tpu.memory_space<vmem>>) target_semaphore(%arg11 : memref<!tpu.dma_semaphore, #tpu.memory_space<semaphore_mem>>)
      %gt3A_113 = arith.constant 0 : i32
      %gt3A_114 = arith.cmpi sgt, %scan3A_66, %gt3A_113 : i32
      %convert_element_type3A_115 = arith.extui %gt3A_114 : i1 to i32
      %cond3A_116 = arith.constant 0 : i32
      %cond3A_117 = arith.cmpi ne, %convert_element_type3A_115, %cond3A_116 : i32
      scf.if %cond3A_117 {
        %dma_wait3A_130 = arith.constant 0 : i32
        %dma_wait3A_131 = tpu.memref_slice %arg4[%add3A_71, %dma_wait3A_130] : memref<2048x2048xi32, #tpu.memory_space<hbm>> -> memref<1x2048xi32, #tpu.memory_space<hbm>>
        %dma_wait3A_132 = tpu.memref_squeeze %dma_wait3A_131 : memref<1x2048xi32, #tpu.memory_space<hbm>> -> memref<2048xi32, #tpu.memory_space<hbm>>
        %dma_wait3A_133 = arith.constant 0 : i32
        %dma_wait3A_134 = tpu.memref_slice %arg4[%add3A_71, %dma_wait3A_133] : memref<2048x2048xi32, #tpu.memory_space<hbm>> -> memref<1x2048xi32, #tpu.memory_space<hbm>>
        %dma_wait3A_135 = tpu.memref_squeeze %dma_wait3A_134 : memref<1x2048xi32, #tpu.memory_space<hbm>> -> memref<2048xi32, #tpu.memory_space<hbm>>
        tpu.wait_dma2 semaphore(%arg14 : memref<!tpu.dma_semaphore, #tpu.memory_space<semaphore_mem>>) src(%arg9 : memref<2048xi32, #tpu.memory_space<vmem>>) dst(%dma_wait3A_135 : memref<2048xi32, #tpu.memory_space<hbm>>)
      } else {
      }
      %scan3A_118 = arith.constant 0 : i32
      %scan3A_119 = arith.constant 0 : i32
      %scan3A_120 = arith.constant 128 : i32
      %scan3A_121 = arith.addi %scan3A_119, %scan3A_120 : i32
      %scan3A_122 = arith.constant 1 : i32
      scf.for %scan3A_130 = %scan3A_119 to %scan3A_121 step %scan3A_122  : i32 {
        %mul3A_131 = arith.constant 16 : i32
        %mul3A_132 = arith.muli %scan3A_130, %mul3A_131 : i32
        %get3A = arith.index_cast %mul3A_132 : i32 to index
        %get3A_133 = tpu.vector_load %arg7[%get3A] {strides = array<i32>} : memref<2048xi32, #tpu.memory_space<vmem>>, vector<16xi32>,
        %min3A_134 = arith.constant 1 : i32
        %min3A_135 = vector.broadcast %min3A_134 : i32 to vector<16xi32>
        %min3A_136 = arith.minsi %get3A_133, %min3A_135 : vector<16xi32>
        %lt3A = arith.constant 0 : i32
        %lt3A_137 = vector.broadcast %lt3A : i32 to vector<16xi32>
        %lt3A_138 = arith.cmpi slt, %mul3A_21, %lt3A_137 : vector<16xi32>
        %add3A_139 = arith.constant 16 : i32
        %add3A_140 = vector.broadcast %add3A_139 : i32 to vector<16xi32>
        %add3A_141 = arith.addi %mul3A_21, %add3A_140 : vector<16xi32>
        %select_n3A = arith.select %lt3A_138, %add3A_141, %mul3A_21 : vector<16xi1>, vector<16xi32>
        %reshape3A = vector.shape_cast %select_n3A : vector<16xi32> to vector<16x1xi32>
        %gather3A = vector.shape_cast %reshape3A : vector<16x1xi32> to vector<16xi32>
        %gather3A_142 = tpu.dynamic_gather %min3A_136[%gather3A] in [0] : vector<16xi32>, vector<16xi32> -> vector<16xi32>
        %lt3A_143 = arith.constant 0 : i32
        %lt3A_144 = vector.broadcast %lt3A_143 : i32 to vector<16xi32>
        %lt3A_145 = arith.cmpi slt, %min3A_26, %lt3A_144 : vector<16xi32>
        %add3A_146 = arith.constant 16 : i32
        %add3A_147 = vector.broadcast %add3A_146 : i32 to vector<16xi32>
        %add3A_148 = arith.addi %min3A_26, %add3A_147 : vector<16xi32>
        %select_n3A_149 = arith.select %lt3A_145, %add3A_148, %min3A_26 : vector<16xi1>, vector<16xi32>
        %reshape3A_150 = vector.shape_cast %select_n3A_149 : vector<16xi32> to vector<16x1xi32>
        %gather3A_151 = vector.shape_cast %reshape3A_150 : vector<16x1xi32> to vector<16xi32>
        %gather3A_152 = tpu.dynamic_gather %min3A_136[%gather3A_151] in [0] : vector<16xi32>, vector<16xi32> -> vector<16xi32>
        %add3A_153 = arith.addi %gather3A_142, %gather3A_152 : vector<16xi32>
        %lt3A_154 = arith.constant 0 : i32
        %lt3A_155 = vector.broadcast %lt3A_154 : i32 to vector<16xi32>
        %lt3A_156 = arith.cmpi slt, %min3A_32, %lt3A_155 : vector<16xi32>
        %add3A_157 = arith.constant 16 : i32
        %add3A_158 = vector.broadcast %add3A_157 : i32 to vector<16xi32>
        %add3A_159 = arith.addi %min3A_32, %add3A_158 : vector<16xi32>
        %select_n3A_160 = arith.select %lt3A_156, %add3A_159, %min3A_32 : vector<16xi1>, vector<16xi32>
        %reshape3A_161 = vector.shape_cast %select_n3A_160 : vector<16xi32> to vector<16x1xi32>
        %gather3A_162 = vector.shape_cast %reshape3A_161 : vector<16x1xi32> to vector<16xi32>
        %gather3A_163 = tpu.dynamic_gather %min3A_136[%gather3A_162] in [0] : vector<16xi32>, vector<16xi32> -> vector<16xi32>
        %add3A_164 = arith.addi %add3A_153, %gather3A_163 : vector<16xi32>
        %le3A = arith.constant 1 : i32
        %le3A_165 = vector.broadcast %le3A : i32 to vector<16xi32>
        %le3A_166 = arith.cmpi sle, %add3A_164, %le3A_165 : vector<16xi32>
        %eq3A = arith.constant 2 : i32
        %eq3A_167 = vector.broadcast %eq3A : i32 to vector<16xi32>
        %eq3A_168 = arith.cmpi eq, %add3A_164, %eq3A_167 : vector<16xi32>
        %jit3A = arith.constant 5.000000e-01 : f32
        %jit3A_169 = arith.constant 0.333333343 : f32
        %broadcast_in_dim3A = vector.broadcast %jit3A : f32 to vector<16xf32>
        %broadcast_in_dim3A_170 = vector.broadcast %jit3A_169 : f32 to vector<16xf32>
        %select_n3A_171 = arith.select %eq3A_168, %broadcast_in_dim3A, %broadcast_in_dim3A_170 : vector<16xi1>, vector<16xf32>
        %jit3A_172 = arith.constant 1.000000e+00 : f32
        %broadcast_in_dim3A_173 = vector.broadcast %jit3A_172 : f32 to vector<16xf32>
        %select_n3A_174 = arith.select %le3A_166, %broadcast_in_dim3A_173, %select_n3A_171 : vector<16xi1>, vector<16xf32>
        %lt3A_175 = arith.constant 0 : i32
        %lt3A_176 = vector.broadcast %lt3A_175 : i32 to vector<16xi32>
        %lt3A_177 = arith.cmpi slt, %add3A_38, %lt3A_176 : vector<16xi32>
        %add3A_178 = arith.constant 16 : i32
        %add3A_179 = vector.broadcast %add3A_178 : i32 to vector<16xi32>
        %add3A_180 = arith.addi %add3A_38, %add3A_179 : vector<16xi32>
        %select_n3A_181 = arith.select %lt3A_177, %add3A_180, %add3A_38 : vector<16xi1>, vector<16xi32>
        %reshape3A_182 = vector.shape_cast %select_n3A_181 : vector<16xi32> to vector<16x1xi32>
        %gather3A_183 = vector.shape_cast %reshape3A_182 : vector<16x1xi32> to vector<16xi32>
        %gather3A_184 = tpu.dynamic_gather %get3A_133[%gather3A_183] in [0] : vector<16xi32>, vector<16xi32> -> vector<16xi32>
        %sub3A_185 = arith.constant 1 : i32
        %sub3A_186 = vector.broadcast %sub3A_185 : i32 to vector<16xi32>
        %sub3A_187 = arith.subi %gather3A_184, %sub3A_186 : vector<16xi32>
        %jit3A_188 = arith.constant 1 : i32
        %jit3A_189 = arith.constant 5 : i32
        %max3A = vector.broadcast %jit3A_188 : i32 to vector<16xi32>
        %max3A_190 = arith.maxsi %max3A, %sub3A_187 : vector<16xi32>
        %min3A_191 = vector.broadcast %jit3A_189 : i32 to vector<16xi32>
        %min3A_192 = arith.minsi %min3A_191, %max3A_190 : vector<16xi32>
        %eq3A_193 = arith.constant 1 : i32
        %eq3A_194 = vector.broadcast %eq3A_193 : i32 to vector<16xi32>
        %eq3A_195 = arith.cmpi eq, %min3A_192, %eq3A_194 : vector<16xi32>
        %eq3A_196 = arith.constant 2 : i32
        %eq3A_197 = vector.broadcast %eq3A_196 : i32 to vector<16xi32>
        %eq3A_198 = arith.cmpi eq, %min3A_192, %eq3A_197 : vector<16xi32>
        %eq3A_199 = arith.constant 3 : i32
        %eq3A_200 = vector.broadcast %eq3A_199 : i32 to vector<16xi32>
        %eq3A_201 = arith.cmpi eq, %min3A_192, %eq3A_200 : vector<16xi32>
        %eq3A_202 = arith.constant 4 : i32
        %eq3A_203 = vector.broadcast %eq3A_202 : i32 to vector<16xi32>
        %eq3A_204 = arith.cmpi eq, %min3A_192, %eq3A_203 : vector<16xi32>
        %jit3A_205 = arith.constant 2.500000e-01 : f32
        %jit3A_206 = arith.constant 2.000000e-01 : f32
        %broadcast_in_dim3A_207 = vector.broadcast %jit3A_205 : f32 to vector<16xf32>
        %broadcast_in_dim3A_208 = vector.broadcast %jit3A_206 : f32 to vector<16xf32>
        %select_n3A_209 = arith.select %eq3A_204, %broadcast_in_dim3A_207, %broadcast_in_dim3A_208 : vector<16xi1>, vector<16xf32>
        %jit3A_210 = arith.constant 0.333333343 : f32
        %broadcast_in_dim3A_211 = vector.broadcast %jit3A_210 : f32 to vector<16xf32>
        %select_n3A_212 = arith.select %eq3A_201, %broadcast_in_dim3A_211, %select_n3A_209 : vector<16xi1>, vector<16xf32>
        %jit3A_213 = arith.constant 5.000000e-01 : f32
        %broadcast_in_dim3A_214 = vector.broadcast %jit3A_213 : f32 to vector<16xf32>
        %select_n3A_215 = arith.select %eq3A_198, %broadcast_in_dim3A_214, %select_n3A_212 : vector<16xi1>, vector<16xf32>
        %jit3A_216 = arith.constant 1.000000e+00 : f32
        %broadcast_in_dim3A_217 = vector.broadcast %jit3A_216 : f32 to vector<16xf32>
        %select_n3A_218 = arith.select %eq3A_195, %broadcast_in_dim3A_217, %select_n3A_215 : vector<16xi1>, vector<16xf32>
        %eq3A_219 = arith.constant 15 : i32
        %eq3A_220 = vector.broadcast %eq3A_219 : i32 to vector<16xi32>
        %eq3A_221 = arith.cmpi eq, %iota3A, %eq3A_220 : vector<16xi32>
        %mul3A_222 = arith.mulf %select_n3A_174, %select_n3A_218 : vector<16xf32>
        %jit3A_223 = arith.constant 1.000000e+00 : f32
        %broadcast_in_dim3A_224 = vector.broadcast %jit3A_223 : f32 to vector<16xf32>
        %select_n3A_225 = arith.select %eq3A_221, %broadcast_in_dim3A_224, %mul3A_222 : vector<16xi1>, vector<16xf32>
        %add3A_226 = arith.addi %get3A_133, %mul3A_15 : vector<16xi32>
        %mul3A_227 = arith.constant 16 : i32
        %mul3A_228 = vector.broadcast %mul3A_227 : i32 to vector<16xi32>
        %mul3A_229 = arith.muli %add3A_226, %mul3A_228 : vector<16xi32>
        %slice3A = vector.extract_strided_slice %mul3A_229 {offsets = [0], sizes = [1], strides = [1]} : vector<16xi32> to vector<1xi32>
        %squeeze3A = vector.extract %slice3A[0] : i32 from vector<1xi32>
        %get3A_230 = arith.index_cast %squeeze3A : i32 to index
        %get3A_231 = tpu.vector_load %arg5[%get3A_230] {strides = array<i32>} : memref<49232xi32, #tpu.memory_space<vmem>>, vector<16xi32>,
        %bitcast3A = vector.bitcast %get3A_231 : vector<16xi32> to vector<32xbf16>
        %mul3A_232 = arith.constant 0 : i32
        %mul3A_233 = vector.broadcast %mul3A_232 : i32 to vector<16xi32>
        %mul3A_234 = arith.muli %iota3A, %mul3A_233 : vector<16xi32>
        %add3A_235 = arith.constant 0 : i32
        %add3A_236 = vector.broadcast %add3A_235 : i32 to vector<16xi32>
        %add3A_237 = arith.addi %mul3A_234, %add3A_236 : vector<16xi32>
        %lt3A_238 = arith.constant 0 : i32
        %lt3A_239 = vector.broadcast %lt3A_238 : i32 to vector<16xi32>
        %lt3A_240 = arith.cmpi slt, %add3A_237, %lt3A_239 : vector<16xi32>
        %add3A_241 = arith.constant 16 : i32
        %add3A_242 = vector.broadcast %add3A_241 : i32 to vector<16xi32>
        %add3A_243 = arith.addi %add3A_237, %add3A_242 : vector<16xi32>
        %select_n3A_244 = arith.select %lt3A_240, %add3A_243, %add3A_237 : vector<16xi1>, vector<16xi32>
        %reshape3A_245 = vector.shape_cast %select_n3A_244 : vector<16xi32> to vector<16x1xi32>
        %gather3A_246 = vector.shape_cast %reshape3A_245 : vector<16x1xi32> to vector<16xi32>
        %gather3A_247 = tpu.dynamic_gather %select_n3A_225[%gather3A_246] in [0] : vector<16xf32>, vector<16xi32> -> vector<16xf32>
        %pack3A = tpu.pack_subelements %gather3A_247, %gather3A_247 {pack_format = #tpu.pack_format<interleaved>, positions = array<i32: 0, 1>} : vector<16xf32>, vector<16xf32> -> vector<32xbf16>
        %mul3A_248 = arith.mulf %bitcast3A, %pack3A : vector<32xbf16>
        %slice3A_249 = vector.extract_strided_slice %mul3A_229 {offsets = [1], sizes = [1], strides = [1]} : vector<16xi32> to vector<1xi32>
        %squeeze3A_250 = vector.extract %slice3A_249[0] : i32 from vector<1xi32>
        %get3A_251 = arith.index_cast %squeeze3A_250 : i32 to index
        %get3A_252 = tpu.vector_load %arg5[%get3A_251] {strides = array<i32>} : memref<49232xi32, #tpu.memory_space<vmem>>, vector<16xi32>,
        %bitcast3A_253 = vector.bitcast %get3A_252 : vector<16xi32> to vector<32xbf16>
        %mul3A_254 = arith.constant 0 : i32
        %mul3A_255 = vector.broadcast %mul3A_254 : i32 to vector<16xi32>
        %mul3A_256 = arith.muli %iota3A, %mul3A_255 : vector<16xi32>
        %add3A_257 = arith.constant 1 : i32
        %add3A_258 = vector.broadcast %add3A_257 : i32 to vector<16xi32>
        %add3A_259 = arith.addi %mul3A_256, %add3A_258 : vector<16xi32>
        %lt3A_260 = arith.constant 0 : i32
        %lt3A_261 = vector.broadcast %lt3A_260 : i32 to vector<16xi32>
        %lt3A_262 = arith.cmpi slt, %add3A_259, %lt3A_261 : vector<16xi32>
        %add3A_263 = arith.constant 16 : i32
        %add3A_264 = vector.broadcast %add3A_263 : i32 to vector<16xi32>
        %add3A_265 = arith.addi %add3A_259, %add3A_264 : vector<16xi32>
        %select_n3A_266 = arith.select %lt3A_262, %add3A_265, %add3A_259 : vector<16xi1>, vector<16xi32>
        %reshape3A_267 = vector.shape_cast %select_n3A_266 : vector<16xi32> to vector<16x1xi32>
        %gather3A_268 = vector.shape_cast %reshape3A_267 : vector<16x1xi32> to vector<16xi32>
        %gather3A_269 = tpu.dynamic_gather %select_n3A_225[%gather3A_268] in [0] : vector<16xf32>, vector<16xi32> -> vector<16xf32>
        %pack3A_270 = tpu.pack_subelements %gather3A_269, %gather3A_269 {pack_format = #tpu.pack_format<interleaved>, positions = array<i32: 0, 1>} : vector<16xf32>, vector<16xf32> -> vector<32xbf16>
        %mul3A_271 = arith.mulf %bitcast3A_253, %pack3A_270 : vector<32xbf16>
        %add3A_272 = arith.addf %mul3A_248, %mul3A_271 : vector<32xbf16>
        %slice3A_273 = vector.extract_strided_slice %mul3A_229 {offsets = [2], sizes = [1], strides = [1]} : vector<16xi32> to vector<1xi32>
        %squeeze3A_274 = vector.extract %slice3A_273[0] : i32 from vector<1xi32>
        %get3A_275 = arith.index_cast %squeeze3A_274 : i32 to index
        %get3A_276 = tpu.vector_load %arg5[%get3A_275] {strides = array<i32>} : memref<49232xi32, #tpu.memory_space<vmem>>, vector<16xi32>,
        %bitcast3A_277 = vector.bitcast %get3A_276 : vector<16xi32> to vector<32xbf16>
        %mul3A_278 = arith.constant 0 : i32
        %mul3A_279 = vector.broadcast %mul3A_278 : i32 to vector<16xi32>
        %mul3A_280 = arith.muli %iota3A, %mul3A_279 : vector<16xi32>
        %add3A_281 = arith.constant 2 : i32
        %add3A_282 = vector.broadcast %add3A_281 : i32 to vector<16xi32>
        %add3A_283 = arith.addi %mul3A_280, %add3A_282 : vector<16xi32>
        %lt3A_284 = arith.constant 0 : i32
        %lt3A_285 = vector.broadcast %lt3A_284 : i32 to vector<16xi32>
        %lt3A_286 = arith.cmpi slt, %add3A_283, %lt3A_285 : vector<16xi32>
        %add3A_287 = arith.constant 16 : i32
        %add3A_288 = vector.broadcast %add3A_287 : i32 to vector<16xi32>
        %add3A_289 = arith.addi %add3A_283, %add3A_288 : vector<16xi32>
        %select_n3A_290 = arith.select %lt3A_286, %add3A_289, %add3A_283 : vector<16xi1>, vector<16xi32>
        %reshape3A_291 = vector.shape_cast %select_n3A_290 : vector<16xi32> to vector<16x1xi32>
        %gather3A_292 = vector.shape_cast %reshape3A_291 : vector<16x1xi32> to vector<16xi32>
        %gather3A_293 = tpu.dynamic_gather %select_n3A_225[%gather3A_292] in [0] : vector<16xf32>, vector<16xi32> -> vector<16xf32>
        %pack3A_294 = tpu.pack_subelements %gather3A_293, %gather3A_293 {pack_format = #tpu.pack_format<interleaved>, positions = array<i32: 0, 1>} : vector<16xf32>, vector<16xf32> -> vector<32xbf16>
        %mul3A_295 = arith.mulf %bitcast3A_277, %pack3A_294 : vector<32xbf16>
        %add3A_296 = arith.addf %add3A_272, %mul3A_295 : vector<32xbf16>
        %slice3A_297 = vector.extract_strided_slice %mul3A_229 {offsets = [3], sizes = [1], strides = [1]} : vector<16xi32> to vector<1xi32>
        %squeeze3A_298 = vector.extract %slice3A_297[0] : i32 from vector<1xi32>
        %get3A_299 = arith.index_cast %squeeze3A_298 : i32 to index
        %get3A_300 = tpu.vector_load %arg5[%get3A_299] {strides = array<i32>} : memref<49232xi32, #tpu.memory_space<vmem>>, vector<16xi32>,
        %bitcast3A_301 = vector.bitcast %get3A_300 : vector<16xi32> to vector<32xbf16>
        %mul3A_302 = arith.constant 0 : i32
        %mul3A_303 = vector.broadcast %mul3A_302 : i32 to vector<16xi32>
        %mul3A_304 = arith.muli %iota3A, %mul3A_303 : vector<16xi32>
        %add3A_305 = arith.constant 3 : i32
        %add3A_306 = vector.broadcast %add3A_305 : i32 to vector<16xi32>
        %add3A_307 = arith.addi %mul3A_304, %add3A_306 : vector<16xi32>
        %lt3A_308 = arith.constant 0 : i32
        %lt3A_309 = vector.broadcast %lt3A_308 : i32 to vector<16xi32>
        %lt3A_310 = arith.cmpi slt, %add3A_307, %lt3A_309 : vector<16xi32>
        %add3A_311 = arith.constant 16 : i32
        %add3A_312 = vector.broadcast %add3A_311 : i32 to vector<16xi32>
        %add3A_313 = arith.addi %add3A_307, %add3A_312 : vector<16xi32>
        %select_n3A_314 = arith.select %lt3A_310, %add3A_313, %add3A_307 : vector<16xi1>, vector<16xi32>
        %reshape3A_315 = vector.shape_cast %select_n3A_314 : vector<16xi32> to vector<16x1xi32>
        %gather3A_316 = vector.shape_cast %reshape3A_315 : vector<16x1xi32> to vector<16xi32>
        %gather3A_317 = tpu.dynamic_gather %select_n3A_225[%gather3A_316] in [0] : vector<16xf32>, vector<16xi32> -> vector<16xf32>
        %pack3A_318 = tpu.pack_subelements %gather3A_317, %gather3A_317 {pack_format = #tpu.pack_format<interleaved>, positions = array<i32: 0, 1>} : vector<16xf32>, vector<16xf32> -> vector<32xbf16>
        %mul3A_319 = arith.mulf %bitcast3A_301, %pack3A_318 : vector<32xbf16>
        %add3A_320 = arith.addf %add3A_296, %mul3A_319 : vector<32xbf16>
        %slice3A_321 = vector.extract_strided_slice %mul3A_229 {offsets = [4], sizes = [1], strides = [1]} : vector<16xi32> to vector<1xi32>
        %squeeze3A_322 = vector.extract %slice3A_321[0] : i32 from vector<1xi32>
        %get3A_323 = arith.index_cast %squeeze3A_322 : i32 to index
        %get3A_324 = tpu.vector_load %arg5[%get3A_323] {strides = array<i32>} : memref<49232xi32, #tpu.memory_space<vmem>>, vector<16xi32>,
        %bitcast3A_325 = vector.bitcast %get3A_324 : vector<16xi32> to vector<32xbf16>
        %mul3A_326 = arith.constant 0 : i32
        %mul3A_327 = vector.broadcast %mul3A_326 : i32 to vector<16xi32>
        %mul3A_328 = arith.muli %iota3A, %mul3A_327 : vector<16xi32>
        %add3A_329 = arith.constant 4 : i32
        %add3A_330 = vector.broadcast %add3A_329 : i32 to vector<16xi32>
        %add3A_331 = arith.addi %mul3A_328, %add3A_330 : vector<16xi32>
        %lt3A_332 = arith.constant 0 : i32
        %lt3A_333 = vector.broadcast %lt3A_332 : i32 to vector<16xi32>
        %lt3A_334 = arith.cmpi slt, %add3A_331, %lt3A_333 : vector<16xi32>
        %add3A_335 = arith.constant 16 : i32
        %add3A_336 = vector.broadcast %add3A_335 : i32 to vector<16xi32>
        %add3A_337 = arith.addi %add3A_331, %add3A_336 : vector<16xi32>
        %select_n3A_338 = arith.select %lt3A_334, %add3A_337, %add3A_331 : vector<16xi1>, vector<16xi32>
        %reshape3A_339 = vector.shape_cast %select_n3A_338 : vector<16xi32> to vector<16x1xi32>
        %gather3A_340 = vector.shape_cast %reshape3A_339 : vector<16x1xi32> to vector<16xi32>
        %gather3A_341 = tpu.dynamic_gather %select_n3A_225[%gather3A_340] in [0] : vector<16xf32>, vector<16xi32> -> vector<16xf32>
        %pack3A_342 = tpu.pack_subelements %gather3A_341, %gather3A_341 {pack_format = #tpu.pack_format<interleaved>, positions = array<i32: 0, 1>} : vector<16xf32>, vector<16xf32> -> vector<32xbf16>
        %mul3A_343 = arith.mulf %bitcast3A_325, %pack3A_342 : vector<32xbf16>
        %add3A_344 = arith.addf %add3A_320, %mul3A_343 : vector<32xbf16>
        %slice3A_345 = vector.extract_strided_slice %mul3A_229 {offsets = [5], sizes = [1], strides = [1]} : vector<16xi32> to vector<1xi32>
        %squeeze3A_346 = vector.extract %slice3A_345[0] : i32 from vector<1xi32>
        %get3A_347 = arith.index_cast %squeeze3A_346 : i32 to index
        %get3A_348 = tpu.vector_load %arg5[%get3A_347] {strides = array<i32>} : memref<49232xi32, #tpu.memory_space<vmem>>, vector<16xi32>,
        %bitcast3A_349 = vector.bitcast %get3A_348 : vector<16xi32> to vector<32xbf16>
        %mul3A_350 = arith.constant 0 : i32
        %mul3A_351 = vector.broadcast %mul3A_350 : i32 to vector<16xi32>
        %mul3A_352 = arith.muli %iota3A, %mul3A_351 : vector<16xi32>
        %add3A_353 = arith.constant 5 : i32
        %add3A_354 = vector.broadcast %add3A_353 : i32 to vector<16xi32>
        %add3A_355 = arith.addi %mul3A_352, %add3A_354 : vector<16xi32>
        %lt3A_356 = arith.constant 0 : i32
        %lt3A_357 = vector.broadcast %lt3A_356 : i32 to vector<16xi32>
        %lt3A_358 = arith.cmpi slt, %add3A_355, %lt3A_357 : vector<16xi32>
        %add3A_359 = arith.constant 16 : i32
        %add3A_360 = vector.broadcast %add3A_359 : i32 to vector<16xi32>
        %add3A_361 = arith.addi %add3A_355, %add3A_360 : vector<16xi32>
        %select_n3A_362 = arith.select %lt3A_358, %add3A_361, %add3A_355 : vector<16xi1>, vector<16xi32>
        %reshape3A_363 = vector.shape_cast %select_n3A_362 : vector<16xi32> to vector<16x1xi32>
        %gather3A_364 = vector.shape_cast %reshape3A_363 : vector<16x1xi32> to vector<16xi32>
        %gather3A_365 = tpu.dynamic_gather %select_n3A_225[%gather3A_364] in [0] : vector<16xf32>, vector<16xi32> -> vector<16xf32>
        %pack3A_366 = tpu.pack_subelements %gather3A_365, %gather3A_365 {pack_format = #tpu.pack_format<interleaved>, positions = array<i32: 0, 1>} : vector<16xf32>, vector<16xf32> -> vector<32xbf16>
        %mul3A_367 = arith.mulf %bitcast3A_349, %pack3A_366 : vector<32xbf16>
        %add3A_368 = arith.addf %add3A_344, %mul3A_367 : vector<32xbf16>
        %slice3A_369 = vector.extract_strided_slice %mul3A_229 {offsets = [6], sizes = [1], strides = [1]} : vector<16xi32> to vector<1xi32>
        %squeeze3A_370 = vector.extract %slice3A_369[0] : i32 from vector<1xi32>
        %get3A_371 = arith.index_cast %squeeze3A_370 : i32 to index
        %get3A_372 = tpu.vector_load %arg5[%get3A_371] {strides = array<i32>} : memref<49232xi32, #tpu.memory_space<vmem>>, vector<16xi32>,
        %bitcast3A_373 = vector.bitcast %get3A_372 : vector<16xi32> to vector<32xbf16>
        %mul3A_374 = arith.constant 0 : i32
        %mul3A_375 = vector.broadcast %mul3A_374 : i32 to vector<16xi32>
        %mul3A_376 = arith.muli %iota3A, %mul3A_375 : vector<16xi32>
        %add3A_377 = arith.constant 6 : i32
        %add3A_378 = vector.broadcast %add3A_377 : i32 to vector<16xi32>
        %add3A_379 = arith.addi %mul3A_376, %add3A_378 : vector<16xi32>
        %lt3A_380 = arith.constant 0 : i32
        %lt3A_381 = vector.broadcast %lt3A_380 : i32 to vector<16xi32>
        %lt3A_382 = arith.cmpi slt, %add3A_379, %lt3A_381 : vector<16xi32>
        %add3A_383 = arith.constant 16 : i32
        %add3A_384 = vector.broadcast %add3A_383 : i32 to vector<16xi32>
        %add3A_385 = arith.addi %add3A_379, %add3A_384 : vector<16xi32>
        %select_n3A_386 = arith.select %lt3A_382, %add3A_385, %add3A_379 : vector<16xi1>, vector<16xi32>
        %reshape3A_387 = vector.shape_cast %select_n3A_386 : vector<16xi32> to vector<16x1xi32>
        %gather3A_388 = vector.shape_cast %reshape3A_387 : vector<16x1xi32> to vector<16xi32>
        %gather3A_389 = tpu.dynamic_gather %select_n3A_225[%gather3A_388] in [0] : vector<16xf32>, vector<16xi32> -> vector<16xf32>
        %pack3A_390 = tpu.pack_subelements %gather3A_389, %gather3A_389 {pack_format = #tpu.pack_format<interleaved>, positions = array<i32: 0, 1>} : vector<16xf32>, vector<16xf32> -> vector<32xbf16>
        %mul3A_391 = arith.mulf %bitcast3A_373, %pack3A_390 : vector<32xbf16>
        %add3A_392 = arith.addf %add3A_368, %mul3A_391 : vector<32xbf16>
        %slice3A_393 = vector.extract_strided_slice %mul3A_229 {offsets = [7], sizes = [1], strides = [1]} : vector<16xi32> to vector<1xi32>
        %squeeze3A_394 = vector.extract %slice3A_393[0] : i32 from vector<1xi32>
        %get3A_395 = arith.index_cast %squeeze3A_394 : i32 to index
        %get3A_396 = tpu.vector_load %arg5[%get3A_395] {strides = array<i32>} : memref<49232xi32, #tpu.memory_space<vmem>>, vector<16xi32>,
        %bitcast3A_397 = vector.bitcast %get3A_396 : vector<16xi32> to vector<32xbf16>
        %mul3A_398 = arith.constant 0 : i32
        %mul3A_399 = vector.broadcast %mul3A_398 : i32 to vector<16xi32>
        %mul3A_400 = arith.muli %iota3A, %mul3A_399 : vector<16xi32>
        %add3A_401 = arith.constant 7 : i32
        %add3A_402 = vector.broadcast %add3A_401 : i32 to vector<16xi32>
        %add3A_403 = arith.addi %mul3A_400, %add3A_402 : vector<16xi32>
        %lt3A_404 = arith.constant 0 : i32
        %lt3A_405 = vector.broadcast %lt3A_404 : i32 to vector<16xi32>
        %lt3A_406 = arith.cmpi slt, %add3A_403, %lt3A_405 : vector<16xi32>
        %add3A_407 = arith.constant 16 : i32
        %add3A_408 = vector.broadcast %add3A_407 : i32 to vector<16xi32>
        %add3A_409 = arith.addi %add3A_403, %add3A_408 : vector<16xi32>
        %select_n3A_410 = arith.select %lt3A_406, %add3A_409, %add3A_403 : vector<16xi1>, vector<16xi32>
        %reshape3A_411 = vector.shape_cast %select_n3A_410 : vector<16xi32> to vector<16x1xi32>
        %gather3A_412 = vector.shape_cast %reshape3A_411 : vector<16x1xi32> to vector<16xi32>
        %gather3A_413 = tpu.dynamic_gather %select_n3A_225[%gather3A_412] in [0] : vector<16xf32>, vector<16xi32> -> vector<16xf32>
        %pack3A_414 = tpu.pack_subelements %gather3A_413, %gather3A_413 {pack_format = #tpu.pack_format<interleaved>, positions = array<i32: 0, 1>} : vector<16xf32>, vector<16xf32> -> vector<32xbf16>
        %mul3A_415 = arith.mulf %bitcast3A_397, %pack3A_414 : vector<32xbf16>
        %add3A_416 = arith.addf %add3A_392, %mul3A_415 : vector<32xbf16>
        %slice3A_417 = vector.extract_strided_slice %mul3A_229 {offsets = [8], sizes = [1], strides = [1]} : vector<16xi32> to vector<1xi32>
        %squeeze3A_418 = vector.extract %slice3A_417[0] : i32 from vector<1xi32>
        %get3A_419 = arith.index_cast %squeeze3A_418 : i32 to index
        %get3A_420 = tpu.vector_load %arg5[%get3A_419] {strides = array<i32>} : memref<49232xi32, #tpu.memory_space<vmem>>, vector<16xi32>,
        %bitcast3A_421 = vector.bitcast %get3A_420 : vector<16xi32> to vector<32xbf16>
        %mul3A_422 = arith.constant 0 : i32
        %mul3A_423 = vector.broadcast %mul3A_422 : i32 to vector<16xi32>
        %mul3A_424 = arith.muli %iota3A, %mul3A_423 : vector<16xi32>
        %add3A_425 = arith.constant 8 : i32
        %add3A_426 = vector.broadcast %add3A_425 : i32 to vector<16xi32>
        %add3A_427 = arith.addi %mul3A_424, %add3A_426 : vector<16xi32>
        %lt3A_428 = arith.constant 0 : i32
        %lt3A_429 = vector.broadcast %lt3A_428 : i32 to vector<16xi32>
        %lt3A_430 = arith.cmpi slt, %add3A_427, %lt3A_429 : vector<16xi32>
        %add3A_431 = arith.constant 16 : i32
        %add3A_432 = vector.broadcast %add3A_431 : i32 to vector<16xi32>
        %add3A_433 = arith.addi %add3A_427, %add3A_432 : vector<16xi32>
        %select_n3A_434 = arith.select %lt3A_430, %add3A_433, %add3A_427 : vector<16xi1>, vector<16xi32>
        %reshape3A_435 = vector.shape_cast %select_n3A_434 : vector<16xi32> to vector<16x1xi32>
        %gather3A_436 = vector.shape_cast %reshape3A_435 : vector<16x1xi32> to vector<16xi32>
        %gather3A_437 = tpu.dynamic_gather %select_n3A_225[%gather3A_436] in [0] : vector<16xf32>, vector<16xi32> -> vector<16xf32>
        %pack3A_438 = tpu.pack_subelements %gather3A_437, %gather3A_437 {pack_format = #tpu.pack_format<interleaved>, positions = array<i32: 0, 1>} : vector<16xf32>, vector<16xf32> -> vector<32xbf16>
        %mul3A_439 = arith.mulf %bitcast3A_421, %pack3A_438 : vector<32xbf16>
        %add3A_440 = arith.addf %add3A_416, %mul3A_439 : vector<32xbf16>
        %slice3A_441 = vector.extract_strided_slice %mul3A_229 {offsets = [9], sizes = [1], strides = [1]} : vector<16xi32> to vector<1xi32>
        %squeeze3A_442 = vector.extract %slice3A_441[0] : i32 from vector<1xi32>
        %get3A_443 = arith.index_cast %squeeze3A_442 : i32 to index
        %get3A_444 = tpu.vector_load %arg5[%get3A_443] {strides = array<i32>} : memref<49232xi32, #tpu.memory_space<vmem>>, vector<16xi32>,
        %bitcast3A_445 = vector.bitcast %get3A_444 : vector<16xi32> to vector<32xbf16>
        %mul3A_446 = arith.constant 0 : i32
        %mul3A_447 = vector.broadcast %mul3A_446 : i32 to vector<16xi32>
        %mul3A_448 = arith.muli %iota3A, %mul3A_447 : vector<16xi32>
        %add3A_449 = arith.constant 9 : i32
        %add3A_450 = vector.broadcast %add3A_449 : i32 to vector<16xi32>
        %add3A_451 = arith.addi %mul3A_448, %add3A_450 : vector<16xi32>
        %lt3A_452 = arith.constant 0 : i32
        %lt3A_453 = vector.broadcast %lt3A_452 : i32 to vector<16xi32>
        %lt3A_454 = arith.cmpi slt, %add3A_451, %lt3A_453 : vector<16xi32>
        %add3A_455 = arith.constant 16 : i32
        %add3A_456 = vector.broadcast %add3A_455 : i32 to vector<16xi32>
        %add3A_457 = arith.addi %add3A_451, %add3A_456 : vector<16xi32>
        %select_n3A_458 = arith.select %lt3A_454, %add3A_457, %add3A_451 : vector<16xi1>, vector<16xi32>
        %reshape3A_459 = vector.shape_cast %select_n3A_458 : vector<16xi32> to vector<16x1xi32>
        %gather3A_460 = vector.shape_cast %reshape3A_459 : vector<16x1xi32> to vector<16xi32>
        %gather3A_461 = tpu.dynamic_gather %select_n3A_225[%gather3A_460] in [0] : vector<16xf32>, vector<16xi32> -> vector<16xf32>
        %pack3A_462 = tpu.pack_subelements %gather3A_461, %gather3A_461 {pack_format = #tpu.pack_format<interleaved>, positions = array<i32: 0, 1>} : vector<16xf32>, vector<16xf32> -> vector<32xbf16>
        %mul3A_463 = arith.mulf %bitcast3A_445, %pack3A_462 : vector<32xbf16>
        %add3A_464 = arith.addf %add3A_440, %mul3A_463 : vector<32xbf16>
        %slice3A_465 = vector.extract_strided_slice %mul3A_229 {offsets = [10], sizes = [1], strides = [1]} : vector<16xi32> to vector<1xi32>
        %squeeze3A_466 = vector.extract %slice3A_465[0] : i32 from vector<1xi32>
        %get3A_467 = arith.index_cast %squeeze3A_466 : i32 to index
        %get3A_468 = tpu.vector_load %arg5[%get3A_467] {strides = array<i32>} : memref<49232xi32, #tpu.memory_space<vmem>>, vector<16xi32>,
        %bitcast3A_469 = vector.bitcast %get3A_468 : vector<16xi32> to vector<32xbf16>
        %mul3A_470 = arith.constant 0 : i32
        %mul3A_471 = vector.broadcast %mul3A_470 : i32 to vector<16xi32>
        %mul3A_472 = arith.muli %iota3A, %mul3A_471 : vector<16xi32>
        %add3A_473 = arith.constant 10 : i32
        %add3A_474 = vector.broadcast %add3A_473 : i32 to vector<16xi32>
        %add3A_475 = arith.addi %mul3A_472, %add3A_474 : vector<16xi32>
        %lt3A_476 = arith.constant 0 : i32
        %lt3A_477 = vector.broadcast %lt3A_476 : i32 to vector<16xi32>
        %lt3A_478 = arith.cmpi slt, %add3A_475, %lt3A_477 : vector<16xi32>
        %add3A_479 = arith.constant 16 : i32
        %add3A_480 = vector.broadcast %add3A_479 : i32 to vector<16xi32>
        %add3A_481 = arith.addi %add3A_475, %add3A_480 : vector<16xi32>
        %select_n3A_482 = arith.select %lt3A_478, %add3A_481, %add3A_475 : vector<16xi1>, vector<16xi32>
        %reshape3A_483 = vector.shape_cast %select_n3A_482 : vector<16xi32> to vector<16x1xi32>
        %gather3A_484 = vector.shape_cast %reshape3A_483 : vector<16x1xi32> to vector<16xi32>
        %gather3A_485 = tpu.dynamic_gather %select_n3A_225[%gather3A_484] in [0] : vector<16xf32>, vector<16xi32> -> vector<16xf32>
        %pack3A_486 = tpu.pack_subelements %gather3A_485, %gather3A_485 {pack_format = #tpu.pack_format<interleaved>, positions = array<i32: 0, 1>} : vector<16xf32>, vector<16xf32> -> vector<32xbf16>
        %mul3A_487 = arith.mulf %bitcast3A_469, %pack3A_486 : vector<32xbf16>
        %add3A_488 = arith.addf %add3A_464, %mul3A_487 : vector<32xbf16>
        %slice3A_489 = vector.extract_strided_slice %mul3A_229 {offsets = [11], sizes = [1], strides = [1]} : vector<16xi32> to vector<1xi32>
        %squeeze3A_490 = vector.extract %slice3A_489[0] : i32 from vector<1xi32>
        %get3A_491 = arith.index_cast %squeeze3A_490 : i32 to index
        %get3A_492 = tpu.vector_load %arg5[%get3A_491] {strides = array<i32>} : memref<49232xi32, #tpu.memory_space<vmem>>, vector<16xi32>,
        %bitcast3A_493 = vector.bitcast %get3A_492 : vector<16xi32> to vector<32xbf16>
        %mul3A_494 = arith.constant 0 : i32
        %mul3A_495 = vector.broadcast %mul3A_494 : i32 to vector<16xi32>
        %mul3A_496 = arith.muli %iota3A, %mul3A_495 : vector<16xi32>
        %add3A_497 = arith.constant 11 : i32
        %add3A_498 = vector.broadcast %add3A_497 : i32 to vector<16xi32>
        %add3A_499 = arith.addi %mul3A_496, %add3A_498 : vector<16xi32>
        %lt3A_500 = arith.constant 0 : i32
        %lt3A_501 = vector.broadcast %lt3A_500 : i32 to vector<16xi32>
        %lt3A_502 = arith.cmpi slt, %add3A_499, %lt3A_501 : vector<16xi32>
        %add3A_503 = arith.constant 16 : i32
        %add3A_504 = vector.broadcast %add3A_503 : i32 to vector<16xi32>
        %add3A_505 = arith.addi %add3A_499, %add3A_504 : vector<16xi32>
        %select_n3A_506 = arith.select %lt3A_502, %add3A_505, %add3A_499 : vector<16xi1>, vector<16xi32>
        %reshape3A_507 = vector.shape_cast %select_n3A_506 : vector<16xi32> to vector<16x1xi32>
        %gather3A_508 = vector.shape_cast %reshape3A_507 : vector<16x1xi32> to vector<16xi32>
        %gather3A_509 = tpu.dynamic_gather %select_n3A_225[%gather3A_508] in [0] : vector<16xf32>, vector<16xi32> -> vector<16xf32>
        %pack3A_510 = tpu.pack_subelements %gather3A_509, %gather3A_509 {pack_format = #tpu.pack_format<interleaved>, positions = array<i32: 0, 1>} : vector<16xf32>, vector<16xf32> -> vector<32xbf16>
        %mul3A_511 = arith.mulf %bitcast3A_493, %pack3A_510 : vector<32xbf16>
        %add3A_512 = arith.addf %add3A_488, %mul3A_511 : vector<32xbf16>
        %slice3A_513 = vector.extract_strided_slice %mul3A_229 {offsets = [12], sizes = [1], strides = [1]} : vector<16xi32> to vector<1xi32>
        %squeeze3A_514 = vector.extract %slice3A_513[0] : i32 from vector<1xi32>
        %get3A_515 = arith.index_cast %squeeze3A_514 : i32 to index
        %get3A_516 = tpu.vector_load %arg5[%get3A_515] {strides = array<i32>} : memref<49232xi32, #tpu.memory_space<vmem>>, vector<16xi32>,
        %bitcast3A_517 = vector.bitcast %get3A_516 : vector<16xi32> to vector<32xbf16>
        %mul3A_518 = arith.constant 0 : i32
        %mul3A_519 = vector.broadcast %mul3A_518 : i32 to vector<16xi32>
        %mul3A_520 = arith.muli %iota3A, %mul3A_519 : vector<16xi32>
        %add3A_521 = arith.constant 12 : i32
        %add3A_522 = vector.broadcast %add3A_521 : i32 to vector<16xi32>
        %add3A_523 = arith.addi %mul3A_520, %add3A_522 : vector<16xi32>
        %lt3A_524 = arith.constant 0 : i32
        %lt3A_525 = vector.broadcast %lt3A_524 : i32 to vector<16xi32>
        %lt3A_526 = arith.cmpi slt, %add3A_523, %lt3A_525 : vector<16xi32>
        %add3A_527 = arith.constant 16 : i32
        %add3A_528 = vector.broadcast %add3A_527 : i32 to vector<16xi32>
        %add3A_529 = arith.addi %add3A_523, %add3A_528 : vector<16xi32>
        %select_n3A_530 = arith.select %lt3A_526, %add3A_529, %add3A_523 : vector<16xi1>, vector<16xi32>
        %reshape3A_531 = vector.shape_cast %select_n3A_530 : vector<16xi32> to vector<16x1xi32>
        %gather3A_532 = vector.shape_cast %reshape3A_531 : vector<16x1xi32> to vector<16xi32>
        %gather3A_533 = tpu.dynamic_gather %select_n3A_225[%gather3A_532] in [0] : vector<16xf32>, vector<16xi32> -> vector<16xf32>
        %pack3A_534 = tpu.pack_subelements %gather3A_533, %gather3A_533 {pack_format = #tpu.pack_format<interleaved>, positions = array<i32: 0, 1>} : vector<16xf32>, vector<16xf32> -> vector<32xbf16>
        %mul3A_535 = arith.mulf %bitcast3A_517, %pack3A_534 : vector<32xbf16>
        %add3A_536 = arith.addf %add3A_512, %mul3A_535 : vector<32xbf16>
        %slice3A_537 = vector.extract_strided_slice %mul3A_229 {offsets = [13], sizes = [1], strides = [1]} : vector<16xi32> to vector<1xi32>
        %squeeze3A_538 = vector.extract %slice3A_537[0] : i32 from vector<1xi32>
        %get3A_539 = arith.index_cast %squeeze3A_538 : i32 to index
        %get3A_540 = tpu.vector_load %arg5[%get3A_539] {strides = array<i32>} : memref<49232xi32, #tpu.memory_space<vmem>>, vector<16xi32>,
        %bitcast3A_541 = vector.bitcast %get3A_540 : vector<16xi32> to vector<32xbf16>
        %mul3A_542 = arith.constant 0 : i32
        %mul3A_543 = vector.broadcast %mul3A_542 : i32 to vector<16xi32>
        %mul3A_544 = arith.muli %iota3A, %mul3A_543 : vector<16xi32>
        %add3A_545 = arith.constant 13 : i32
        %add3A_546 = vector.broadcast %add3A_545 : i32 to vector<16xi32>
        %add3A_547 = arith.addi %mul3A_544, %add3A_546 : vector<16xi32>
        %lt3A_548 = arith.constant 0 : i32
        %lt3A_549 = vector.broadcast %lt3A_548 : i32 to vector<16xi32>
        %lt3A_550 = arith.cmpi slt, %add3A_547, %lt3A_549 : vector<16xi32>
        %add3A_551 = arith.constant 16 : i32
        %add3A_552 = vector.broadcast %add3A_551 : i32 to vector<16xi32>
        %add3A_553 = arith.addi %add3A_547, %add3A_552 : vector<16xi32>
        %select_n3A_554 = arith.select %lt3A_550, %add3A_553, %add3A_547 : vector<16xi1>, vector<16xi32>
        %reshape3A_555 = vector.shape_cast %select_n3A_554 : vector<16xi32> to vector<16x1xi32>
        %gather3A_556 = vector.shape_cast %reshape3A_555 : vector<16x1xi32> to vector<16xi32>
        %gather3A_557 = tpu.dynamic_gather %select_n3A_225[%gather3A_556] in [0] : vector<16xf32>, vector<16xi32> -> vector<16xf32>
        %pack3A_558 = tpu.pack_subelements %gather3A_557, %gather3A_557 {pack_format = #tpu.pack_format<interleaved>, positions = array<i32: 0, 1>} : vector<16xf32>, vector<16xf32> -> vector<32xbf16>
        %mul3A_559 = arith.mulf %bitcast3A_541, %pack3A_558 : vector<32xbf16>
        %add3A_560 = arith.addf %add3A_536, %mul3A_559 : vector<32xbf16>
        %slice3A_561 = vector.extract_strided_slice %mul3A_229 {offsets = [14], sizes = [1], strides = [1]} : vector<16xi32> to vector<1xi32>
        %squeeze3A_562 = vector.extract %slice3A_561[0] : i32 from vector<1xi32>
        %get3A_563 = arith.index_cast %squeeze3A_562 : i32 to index
        %get3A_564 = tpu.vector_load %arg5[%get3A_563] {strides = array<i32>} : memref<49232xi32, #tpu.memory_space<vmem>>, vector<16xi32>,
        %bitcast3A_565 = vector.bitcast %get3A_564 : vector<16xi32> to vector<32xbf16>
        %mul3A_566 = arith.constant 0 : i32
        %mul3A_567 = vector.broadcast %mul3A_566 : i32 to vector<16xi32>
        %mul3A_568 = arith.muli %iota3A, %mul3A_567 : vector<16xi32>
        %add3A_569 = arith.constant 14 : i32
        %add3A_570 = vector.broadcast %add3A_569 : i32 to vector<16xi32>
        %add3A_571 = arith.addi %mul3A_568, %add3A_570 : vector<16xi32>
        %lt3A_572 = arith.constant 0 : i32
        %lt3A_573 = vector.broadcast %lt3A_572 : i32 to vector<16xi32>
        %lt3A_574 = arith.cmpi slt, %add3A_571, %lt3A_573 : vector<16xi32>
        %add3A_575 = arith.constant 16 : i32
        %add3A_576 = vector.broadcast %add3A_575 : i32 to vector<16xi32>
        %add3A_577 = arith.addi %add3A_571, %add3A_576 : vector<16xi32>
        %select_n3A_578 = arith.select %lt3A_574, %add3A_577, %add3A_571 : vector<16xi1>, vector<16xi32>
        %reshape3A_579 = vector.shape_cast %select_n3A_578 : vector<16xi32> to vector<16x1xi32>
        %gather3A_580 = vector.shape_cast %reshape3A_579 : vector<16x1xi32> to vector<16xi32>
        %gather3A_581 = tpu.dynamic_gather %select_n3A_225[%gather3A_580] in [0] : vector<16xf32>, vector<16xi32> -> vector<16xf32>
        %pack3A_582 = tpu.pack_subelements %gather3A_581, %gather3A_581 {pack_format = #tpu.pack_format<interleaved>, positions = array<i32: 0, 1>} : vector<16xf32>, vector<16xf32> -> vector<32xbf16>
        %mul3A_583 = arith.mulf %bitcast3A_565, %pack3A_582 : vector<32xbf16>
        %add3A_584 = arith.addf %add3A_560, %mul3A_583 : vector<32xbf16>
        %slice3A_585 = vector.extract_strided_slice %mul3A_229 {offsets = [15], sizes = [1], strides = [1]} : vector<16xi32> to vector<1xi32>
        %squeeze3A_586 = vector.extract %slice3A_585[0] : i32 from vector<1xi32>
        %get3A_587 = arith.index_cast %squeeze3A_586 : i32 to index
        %get3A_588 = tpu.vector_load %arg5[%get3A_587] {strides = array<i32>} : memref<49232xi32, #tpu.memory_space<vmem>>, vector<16xi32>,
        %bitcast3A_589 = vector.bitcast %get3A_588 : vector<16xi32> to vector<32xbf16>
        %mul3A_590 = arith.constant 0 : i32
        %mul3A_591 = vector.broadcast %mul3A_590 : i32 to vector<16xi32>
        %mul3A_592 = arith.muli %iota3A, %mul3A_591 : vector<16xi32>
        %add3A_593 = arith.constant 15 : i32
        %add3A_594 = vector.broadcast %add3A_593 : i32 to vector<16xi32>
        %add3A_595 = arith.addi %mul3A_592, %add3A_594 : vector<16xi32>
        %lt3A_596 = arith.constant 0 : i32
        %lt3A_597 = vector.broadcast %lt3A_596 : i32 to vector<16xi32>
        %lt3A_598 = arith.cmpi slt, %add3A_595, %lt3A_597 : vector<16xi32>
        %add3A_599 = arith.constant 16 : i32
        %add3A_600 = vector.broadcast %add3A_599 : i32 to vector<16xi32>
        %add3A_601 = arith.addi %add3A_595, %add3A_600 : vector<16xi32>
        %select_n3A_602 = arith.select %lt3A_598, %add3A_601, %add3A_595 : vector<16xi1>, vector<16xi32>
        %reshape3A_603 = vector.shape_cast %select_n3A_602 : vector<16xi32> to vector<16x1xi32>
        %gather3A_604 = vector.shape_cast %reshape3A_603 : vector<16x1xi32> to vector<16xi32>
        %gather3A_605 = tpu.dynamic_gather %select_n3A_225[%gather3A_604] in [0] : vector<16xf32>, vector<16xi32> -> vector<16xf32>
        %pack3A_606 = tpu.pack_subelements %gather3A_605, %gather3A_605 {pack_format = #tpu.pack_format<interleaved>, positions = array<i32: 0, 1>} : vector<16xf32>, vector<16xf32> -> vector<32xbf16>
        %mul3A_607 = arith.mulf %bitcast3A_589, %pack3A_606 : vector<32xbf16>
        %add3A_608 = arith.addf %add3A_584, %mul3A_607 : vector<32xbf16>
        %add3A_609 = vector.broadcast %scan3A_130 : i32 to vector<16xi32>
        %add3A_610 = arith.addi %mul3A_41, %add3A_609 : vector<16xi32>
        %bitcast3A_611 = vector.bitcast %add3A_608 : vector<32xbf16> to vector<16xi32>
        tpu.vector_store_idx %arg9[%add3A_610], %bitcast3A_611 : memref<2048xi32, #tpu.memory_space<vmem>>[vector<16xi32>], vector<16xi32>,
      }
      %scan3A_123 = arith.constant 128 : i32
      %dma_start3A_124 = arith.constant 0 : i32
      %dma_start3A_125 = tpu.memref_slice %arg4[%add3A_71, %dma_start3A_124] : memref<2048x2048xi32, #tpu.memory_space<hbm>> -> memref<1x2048xi32, #tpu.memory_space<hbm>>
      %dma_start3A_126 = tpu.memref_squeeze %dma_start3A_125 : memref<1x2048xi32, #tpu.memory_space<hbm>> -> memref<2048xi32, #tpu.memory_space<hbm>>
      %dma_start3A_127 = arith.constant 0 : i32
      %dma_start3A_128 = tpu.memref_slice %arg4[%add3A_71, %dma_start3A_127] : memref<2048x2048xi32, #tpu.memory_space<hbm>> -> memref<1x2048xi32, #tpu.memory_space<hbm>>
      %dma_start3A_129 = tpu.memref_squeeze %dma_start3A_128 : memref<1x2048xi32, #tpu.memory_space<hbm>> -> memref<2048xi32, #tpu.memory_space<hbm>>
      tpu.enqueue_dma source(%arg9 : memref<2048xi32, #tpu.memory_space<vmem>>) target(%dma_start3A_129 : memref<2048xi32, #tpu.memory_space<hbm>>) target_semaphore(%arg14 : memref<!tpu.dma_semaphore, #tpu.memory_space<semaphore_mem>>)
    }
    %scan3A_46 = arith.constant 32 : i32
    %sub3A_47 = arith.constant 1 : i32
    %sub3A_48 = arith.subi %sub3A_5, %sub3A_47 : i32
    %dma_wait3A = arith.constant 0 : i32
    %dma_wait3A_49 = tpu.memref_slice %arg4[%sub3A_48, %dma_wait3A] : memref<2048x2048xi32, #tpu.memory_space<hbm>> -> memref<1x2048xi32, #tpu.memory_space<hbm>>
    %dma_wait3A_50 = tpu.memref_squeeze %dma_wait3A_49 : memref<1x2048xi32, #tpu.memory_space<hbm>> -> memref<2048xi32, #tpu.memory_space<hbm>>
    %dma_wait3A_51 = arith.constant 0 : i32
    %dma_wait3A_52 = tpu.memref_slice %arg4[%sub3A_48, %dma_wait3A_51] : memref<2048x2048xi32, #tpu.memory_space<hbm>> -> memref<1x2048xi32, #tpu.memory_space<hbm>>
    %dma_wait3A_53 = tpu.memref_squeeze %dma_wait3A_52 : memref<1x2048xi32, #tpu.memory_space<hbm>> -> memref<2048xi32, #tpu.memory_space<hbm>>
    tpu.wait_dma2 semaphore(%arg13 : memref<!tpu.dma_semaphore, #tpu.memory_space<semaphore_mem>>) src(%arg8 : memref<2048xi32, #tpu.memory_space<vmem>>) dst(%dma_wait3A_53 : memref<2048xi32, #tpu.memory_space<hbm>>)
    %dma_wait3A_54 = arith.constant 0 : i32
    %dma_wait3A_55 = tpu.memref_slice %arg4[%sub3A_5, %dma_wait3A_54] : memref<2048x2048xi32, #tpu.memory_space<hbm>> -> memref<1x2048xi32, #tpu.memory_space<hbm>>
    %dma_wait3A_56 = tpu.memref_squeeze %dma_wait3A_55 : memref<1x2048xi32, #tpu.memory_space<hbm>> -> memref<2048xi32, #tpu.memory_space<hbm>>
    %dma_wait3A_57 = arith.constant 0 : i32
    %dma_wait3A_58 = tpu.memref_slice %arg4[%sub3A_5, %dma_wait3A_57] : memref<2048x2048xi32, #tpu.memory_space<hbm>> -> memref<1x2048xi32, #tpu.memory_space<hbm>>
    %dma_wait3A_59 = tpu.memref_squeeze %dma_wait3A_58 : memref<1x2048xi32, #tpu.memory_space<hbm>> -> memref<2048xi32, #tpu.memory_space<hbm>>
    tpu.wait_dma2 semaphore(%arg14 : memref<!tpu.dma_semaphore, #tpu.memory_space<semaphore_mem>>) src(%arg9 : memref<2048xi32, #tpu.memory_space<vmem>>) dst(%dma_wait3A_59 : memref<2048xi32, #tpu.memory_space<hbm>>)
    %dma_wait3A_60 = arith.constant 0 : i32
    %dma_wait3A_61 = tpu.memref_slice %arg3[%sub3A_5, %dma_wait3A_60] : memref<2048x2048xi32, #tpu.memory_space<hbm>> -> memref<1x2048xi32, #tpu.memory_space<hbm>>
    %dma_wait3A_62 = tpu.memref_squeeze %dma_wait3A_61 : memref<1x2048xi32, #tpu.memory_space<hbm>> -> memref<2048xi32, #tpu.memory_space<hbm>>
    %dma_wait3A_63 = arith.constant 0 : i32
    %dma_wait3A_64 = tpu.memref_slice %arg3[%sub3A_5, %dma_wait3A_63] : memref<2048x2048xi32, #tpu.memory_space<hbm>> -> memref<1x2048xi32, #tpu.memory_space<hbm>>
    %dma_wait3A_65 = tpu.memref_squeeze %dma_wait3A_64 : memref<1x2048xi32, #tpu.memory_space<hbm>> -> memref<2048xi32, #tpu.memory_space<hbm>>
    tpu.wait_dma2 semaphore(%arg11 : memref<!tpu.dma_semaphore, #tpu.memory_space<semaphore_mem>>) src(%dma_wait3A_65 : memref<2048xi32, #tpu.memory_space<hbm>>) dst(%arg6 : memref<2048xi32, #tpu.memory_space<vmem>>)
    return
  }
}

module attributes {stable_mosaic.version = 14 : i64} {
  func.func @_prep_body(%arg0: memref<513x32xf32, #tpu.memory_space<vmem>>, %arg1: memref<5x32x32xf32, #tpu.memory_space<vmem>>, %arg2: memref<512x32xf32, #tpu.memory_space<vmem>>, %arg3: memref<3077x32xf32, #tpu.memory_space<vmem>>) attributes {dimension_semantics = [], scalar_prefetch = 0 : i64, scratch_operands = 0 : i64, tpu.core_type = #tpu.core_type<tc>} {
    %get3A = arith.constant 0 : index
    %get3A_0 = arith.constant 0 : index
    %get3A_1 = vector.load %arg0[%get3A, %get3A_0] : memref<513x32xf32, #tpu.memory_space<vmem>>, vector<513x32xf32>
    %get3A_2 = arith.constant 0 : index
    %get3A_3 = arith.constant 0 : index
    %get3A_4 = arith.constant 0 : index
    %get3A_5 = vector.load %arg1[%get3A_2, %get3A_3, %get3A_4] : memref<5x32x32xf32, #tpu.memory_space<vmem>>, vector<1x32x32xf32>
    %get3A_6 = vector.shape_cast %get3A_5 : vector<1x32x32xf32> to vector<32x32xf32>
    %dot_general3A = arith.constant dense<0.000000e+00> : vector<513x32xf32>
    %dot_general3A_7 = tpu.matmul %get3A_1, %get3A_6, %dot_general3A {dimension_numbers = #tpu.dot_dimension_numbers<[1], [0], [0], [1], [0, 0, 1, 1], [], []>, transpose_lhs_hint = false} : vector<513x32xf32>, vector<32x32xf32>, vector<513x32xf32> -> vector<513x32xf32>
    %get3A_8 = arith.constant 1 : index
    %get3A_9 = arith.constant 0 : index
    %get3A_10 = arith.constant 0 : index
    %get3A_11 = vector.load %arg1[%get3A_8, %get3A_9, %get3A_10] : memref<5x32x32xf32, #tpu.memory_space<vmem>>, vector<1x32x32xf32>
    %get3A_12 = vector.shape_cast %get3A_11 : vector<1x32x32xf32> to vector<32x32xf32>
    %dot_general3A_13 = arith.constant dense<0.000000e+00> : vector<513x32xf32>
    %dot_general3A_14 = tpu.matmul %get3A_1, %get3A_12, %dot_general3A_13 {dimension_numbers = #tpu.dot_dimension_numbers<[1], [0], [0], [1], [0, 0, 1, 1], [], []>, transpose_lhs_hint = false} : vector<513x32xf32>, vector<32x32xf32>, vector<513x32xf32> -> vector<513x32xf32>
    %get3A_15 = arith.constant 2 : index
    %get3A_16 = arith.constant 0 : index
    %get3A_17 = arith.constant 0 : index
    %get3A_18 = vector.load %arg1[%get3A_15, %get3A_16, %get3A_17] : memref<5x32x32xf32, #tpu.memory_space<vmem>>, vector<1x32x32xf32>
    %get3A_19 = vector.shape_cast %get3A_18 : vector<1x32x32xf32> to vector<32x32xf32>
    %dot_general3A_20 = arith.constant dense<0.000000e+00> : vector<513x32xf32>
    %dot_general3A_21 = tpu.matmul %get3A_1, %get3A_19, %dot_general3A_20 {dimension_numbers = #tpu.dot_dimension_numbers<[1], [0], [0], [1], [0, 0, 1, 1], [], []>, transpose_lhs_hint = false} : vector<513x32xf32>, vector<32x32xf32>, vector<513x32xf32> -> vector<513x32xf32>
    %get3A_22 = arith.constant 3 : index
    %get3A_23 = arith.constant 0 : index
    %get3A_24 = arith.constant 0 : index
    %get3A_25 = vector.load %arg1[%get3A_22, %get3A_23, %get3A_24] : memref<5x32x32xf32, #tpu.memory_space<vmem>>, vector<1x32x32xf32>
    %get3A_26 = vector.shape_cast %get3A_25 : vector<1x32x32xf32> to vector<32x32xf32>
    %dot_general3A_27 = arith.constant dense<0.000000e+00> : vector<513x32xf32>
    %dot_general3A_28 = tpu.matmul %get3A_1, %get3A_26, %dot_general3A_27 {dimension_numbers = #tpu.dot_dimension_numbers<[1], [0], [0], [1], [0, 0, 1, 1], [], []>, transpose_lhs_hint = false} : vector<513x32xf32>, vector<32x32xf32>, vector<513x32xf32> -> vector<513x32xf32>
    %get3A_29 = arith.constant 4 : index
    %get3A_30 = arith.constant 0 : index
    %get3A_31 = arith.constant 0 : index
    %get3A_32 = vector.load %arg1[%get3A_29, %get3A_30, %get3A_31] : memref<5x32x32xf32, #tpu.memory_space<vmem>>, vector<1x32x32xf32>
    %get3A_33 = vector.shape_cast %get3A_32 : vector<1x32x32xf32> to vector<32x32xf32>
    %dot_general3A_34 = arith.constant dense<0.000000e+00> : vector<513x32xf32>
    %dot_general3A_35 = tpu.matmul %get3A_1, %get3A_33, %dot_general3A_34 {dimension_numbers = #tpu.dot_dimension_numbers<[1], [0], [0], [1], [0, 0, 1, 1], [], []>, transpose_lhs_hint = false} : vector<513x32xf32>, vector<32x32xf32>, vector<513x32xf32> -> vector<513x32xf32>
    %get3A_36 = arith.constant 0 : index
    %get3A_37 = arith.constant 0 : index
    %get3A_38 = vector.load %arg2[%get3A_36, %get3A_37] : memref<512x32xf32, #tpu.memory_space<vmem>>, vector<512x32xf32>
    %concatenate3A = tpu.concatenate %dot_general3A_7, %dot_general3A_14, %dot_general3A_21, %dot_general3A_28, %dot_general3A_35, %get3A_38 in 0 : vector<513x32xf32>, vector<513x32xf32>, vector<513x32xf32>, vector<513x32xf32>, vector<513x32xf32>, vector<512x32xf32> -> vector<3077x32xf32>
    %swap3A = arith.constant 0 : index
    %swap3A_39 = arith.constant 0 : index
    %swap3A_40 = vector.load %arg3[%swap3A, %swap3A_39] : memref<3077x32xf32, #tpu.memory_space<vmem>>, vector<3077x32xf32>
    tpu.vector_store %arg3[%swap3A, %swap3A_39], %concatenate3A {strides = array<i32>} : memref<3077x32xf32, #tpu.memory_space<vmem>>, vector<3077x32xf32>,
    return
  }
}

module attributes {stable_mosaic.version = 14 : i64} {
  func.func @_add_body(%arg0: i32, %arg1: i32, %arg2: memref<1x1x129x129xf32, #tpu.memory_space<vmem>>, %arg3: memref<1x128x2048xi32, #tpu.memory_space<vmem>>, %arg4: memref<1x32xf32, #tpu.memory_space<smem>>, %arg5: memref<1x1x129x129xf32, #tpu.memory_space<vmem>>) attributes {dimension_semantics = [#tpu.dimension_semantics<arbitrary>, #tpu.dimension_semantics<arbitrary>], iteration_bounds = array<i64: 16, 32>, scalar_prefetch = 0 : i64, scratch_operands = 0 : i64, tpu.core_type = #tpu.core_type<tc>, window_params = [{transform_indices = @transform_0, window_bounds = array<i64: 1, 1, 129, 129>}, {transform_indices = @transform_1, window_bounds = array<i64: 1, 128, 2048>}, {transform_indices = @transform_2, window_bounds = array<i64: 1, 32>}, {transform_indices = @transform_3, window_bounds = array<i64: 1, 1, 129, 129>}]} {
    %get3A = arith.constant 0 : index
    %get3A_0 = arith.index_cast %arg1 : i32 to index
    %get3A_1 = memref.load %arg4[%get3A, %get3A_0] : memref<1x32xf32, #tpu.memory_space<smem>>
    %get3A_2 = arith.constant 0 : index
    %get3A_3 = arith.constant 0 : index
    %get3A_4 = arith.constant 0 : index
    %get3A_5 = arith.constant 0 : index
    %get3A_6 = vector.load %arg2[%get3A_2, %get3A_3, %get3A_4, %get3A_5] : memref<1x1x129x129xf32, #tpu.memory_space<vmem>>, vector<1x1x129x129xf32>
    %get3A_7 = vector.shape_cast %get3A_6 : vector<1x1x129x129xf32> to vector<129x129xf32>
    %div3A = arith.constant 2 : i32
    %div3A_8 = arith.divsi %arg1, %div3A : i32
    %rem3A = arith.constant 2 : i32
    %rem3A_9 = arith.remsi %arg1, %rem3A : i32
    %mul3A = arith.constant 128 : i32
    %mul3A_10 = arith.muli %div3A_8, %mul3A : i32
    %get3A_11 = arith.constant 0 : index
    %get3A_12 = arith.constant 0 : index
    %get3A_13 = arith.index_cast %mul3A_10 : i32 to index
    %get3A_14 = vector.load %arg3[%get3A_11, %get3A_12, %get3A_13] : memref<1x128x2048xi32, #tpu.memory_space<vmem>>, vector<1x128x128xi32>
    %get3A_15 = vector.shape_cast %get3A_14 : vector<1x128x128xi32> to vector<128x128xi32>
    %eq3A = arith.constant 0 : i32
    %eq3A_16 = arith.cmpi eq, %rem3A_9, %eq3A : i32
    %shift_left3A = arith.constant 16 : i32
    %shift_left3A_17 = vector.broadcast %shift_left3A : i32 to vector<128x128xi32>
    %shift_left3A_18 = arith.shli %get3A_15, %shift_left3A_17 : vector<128x128xi32>
    %and3A = arith.constant -65536 : i32
    %and3A_19 = vector.broadcast %and3A : i32 to vector<128x128xi32>
    %and3A_20 = arith.andi %get3A_15, %and3A_19 : vector<128x128xi32>
    %select_n3A = arith.select %eq3A_16, %shift_left3A_18, %and3A_20 : vector<128x128xi32>
    %bitcast_convert_type3A = tpu.bitcast %select_n3A : vector<128x128xi32> -> vector<128x128xf32>
    %jit3A = arith.constant 0 : i32
    %convert_element_type3A = arith.sitofp %jit3A : i32 to f32
    %pad3A = vector.broadcast %convert_element_type3A : f32 to vector<1x128xf32>
    %pad3A_21 = tpu.concatenate %pad3A, %bitcast_convert_type3A in 0 : vector<1x128xf32>, vector<128x128xf32> -> vector<129x128xf32>
    %pad3A_22 = vector.broadcast %convert_element_type3A : f32 to vector<129x1xf32>
    %pad3A_23 = tpu.concatenate %pad3A_22, %pad3A_21 in 1 : vector<129x1xf32>, vector<129x128xf32> -> vector<129x129xf32>
    %iota3A = tpu.iota {dimensions = array<i32: 0>} : vector<129x129xi32>
    %iota3A_24 = tpu.iota {dimensions = array<i32: 1>} : vector<129x129xi32>
    %eq3A_25 = arith.constant 0 : i32
    %eq3A_26 = vector.broadcast %eq3A_25 : i32 to vector<129x129xi32>
    %eq3A_27 = arith.cmpi eq, %iota3A, %eq3A_26 : vector<129x129xi32>
    %eq3A_28 = arith.constant 0 : i32
    %eq3A_29 = vector.broadcast %eq3A_28 : i32 to vector<129x129xi32>
    %eq3A_30 = arith.cmpi eq, %iota3A_24, %eq3A_29 : vector<129x129xi32>
    %or3A = arith.ori %eq3A_27, %eq3A_30 : vector<129x129xi1>
    %add3A = arith.addf %get3A_7, %pad3A_23 : vector<129x129xf32>
    %jit3A_31 = arith.constant 0.000000e+00 : f32
    %broadcast_in_dim3A = vector.broadcast %get3A_1 : f32 to vector<129x129xf32>
    %broadcast_in_dim3A_32 = vector.broadcast %jit3A_31 : f32 to vector<129x129xf32>
    %select_n3A_33 = arith.select %or3A, %broadcast_in_dim3A, %broadcast_in_dim3A_32 : vector<129x129xi1>, vector<129x129xf32>
    %add3A_34 = arith.addf %add3A, %select_n3A_33 : vector<129x129xf32>
    %swap3A = arith.constant 0 : index
    %swap3A_35 = arith.constant 0 : index
    %swap3A_36 = arith.constant 0 : index
    %swap3A_37 = arith.constant 0 : index
    %swap3A_38 = vector.load %arg5[%swap3A, %swap3A_35, %swap3A_36, %swap3A_37] : memref<1x1x129x129xf32, #tpu.memory_space<vmem>>, vector<1x1x129x129xf32>
    %swap3A_39 = vector.shape_cast %swap3A_38 : vector<1x1x129x129xf32> to vector<129x129xf32>
    %swap3A_40 = vector.shape_cast %add3A_34 : vector<129x129xf32> to vector<1x1x129x129xf32>
    tpu.vector_store %arg5[%swap3A, %swap3A_35, %swap3A_36, %swap3A_37], %swap3A_40 {strides = array<i32>} : memref<1x1x129x129xf32, #tpu.memory_space<vmem>>, vector<1x1x129x129xf32>,
    return
  }
  func.func @transform_0(%arg0: i32, %arg1: i32) -> (i32, i32, i32, i32) {
    %c0_i32 = arith.constant 0 : i32
    %c0_i32_0 = arith.constant 0 : i32
    %c0_i32_1 = arith.constant 0 : i32
    return %arg0, %arg1, %c0_i32, %c0_i32_0 : i32, i32, i32, i32
  }
  func.func @transform_1(%arg0: i32, %arg1: i32) -> (i32, i32, i32) {
    %c0_i32 = arith.constant 0 : i32
    %c0_i32_0 = arith.constant 0 : i32
    %c0_i32_1 = arith.constant 0 : i32
    return %arg0, %c0_i32, %c0_i32_0 : i32, i32, i32
  }
  func.func @transform_2(%arg0: i32, %arg1: i32) -> (i32, i32) {
    %c0_i32 = arith.constant 0 : i32
    %c0_i32_0 = arith.constant 0 : i32
    %c0_i32_1 = arith.constant 0 : i32
    return %c0_i32, %c0_i32_0 : i32, i32
  }
  func.func @transform_3(%arg0: i32, %arg1: i32) -> (i32, i32, i32, i32) {
    %c0_i32 = arith.constant 0 : i32
    %c0_i32_0 = arith.constant 0 : i32
    %c0_i32_1 = arith.constant 0 : i32
    return %arg0, %arg1, %c0_i32, %c0_i32_0 : i32, i32, i32, i32
  }
}

</mosaic_0001>

<sc_bundles>
// kernel: kernel.5.cloned.1.call-start
scs
__scs_entry_jumppad:
0x0: {  	(pc) =	sbr.rel $0x88, $3  }
0x1: {  	(tag) =	ssettag $0x0;
	lr =	simm.s32 $0x1  }
0x2: {  	[smem:$0x3F9A] =	sst lr;
	_ =	strace $0xD0000000  }
0x3: {  	_ = 	snop  }
0x4: {  	_ = 	snop  }
0x5: {  	_ = 	snop  }
0x6: {  	_ = 	snop  }
0x7: {  	_ = 	snop  }
__scs_overlays_trampoline_lowered:
0x8: {  	[smem:$0x3FA9] =	sst s0  }
0x9: {  	[smem:$0x3FAA] =	sst s1  }
0xa: {  	[smem:$0x3FAB] =	sst s2  }
0xb: {  	[smem:$0x3FAC] =	sst s3  }
0xc: {  	[smem:$0x3FAD] =	sst s4  }
0xd: {  	[smem:$0x3FAE] =	sst s5  }
0xe: {  	[smem:$0x3FAF] =	sst s6  }
0xf: {  	[smem:$0x3FB0] =	sst s7  }
0x10: {  	[smem:$0x3FB1] =	sst s8  }
0x11: {  	[smem:$0x3FB2] =	sst s9;
	s0 =	simm.s32 @!p0 $0x0  }
0x12: {  	s1 =	sld [smem:$0x3F98];
	s0 =	simm.s32 @p0 $0x1  }
0x13: {  	[smem:$0x3FB3] =	sst s0;
	s0 =	simm.s32 @!p1 $0x0  }
0x14: {  	s2 =	sld [smem:$0x3F97];
	s0 =	simm.s32 @p1 $0x1  }
0x15: {  	[smem:$0x3FB4] =	sst s0;
	s0 =	simm.s32 @!p2 $0x0  }
0x16: {  	s3 =	sld [smem:$0x3FDB];
	s0 =	simm.s32 @p2 $0x1  }
0x17: {  	s4 =	simm.s32 $0x1BF5;
	[smem:$0x3FB6] =	sst s0  }
0x18: {  	s0 =	sld [smem:$0x3F99];
	_ =	swait.ge [sflag:s4], $0x0  }
0x19: {  	s7 =	sld [smem:$0x3F9A]  }
0x1a: {  	s8 =	sadd.s32 $0xFFFFE003, lr  }
0x1b: {  	s9 =	sadd.s32 $0xFFFFFEF7, lr;
	s5 =	simm.s32 $0xFFFFFFFF;
	p2 =	slt.u32 s8, $0xFFFFF086  }
0x1c: {  	p1 =	slt.u32 s9, $0xF7A;
	s5 =	simm.s32 @!p2 $0x0  }
0x1d: {  	s5 =	simm.s32 @p1 $0x1;
	p0 =	seq.s32 s7, s2  }
0x1e: {  	s7 =	smul.u32 @!p0 $0xF7A, s2;
	p2 =	seq.s32 @!p0 s5, $0x0  }
0x1f: {  	s9 =	smul.u32 $0xF7A, s1;
	s8 =	simm.s32 @!p0 $0x1BF5;
	p2 =	por !p2, p0  }
0x20: {  	[sflag:s8] =	ssyncset.s32 @!p0 $0xFFFFF086;
	s6 =	sadd.s32 @!p0 s3, s7;
	s7 =	simm.s32 @!p0 $0x108  }
0x21: {  	s3 =	sadd.s32 s3, s9;
	s6 =	sadd.s32 @!p0 $0x88, s6;
	s7 =	simm.s32 @p2 $0x1082  }
0x22: {  	[simem:s7], [sflag:s8] =	dma.local @!p0 [hbm:s6], $0xF7A  }
0x23: {  	s9 =	sor.u32 $0xD0000000, s2;
	s6 =	simm.s32 $0x108;
	_ =	swait.ge @!p0 [sflag:s8], $0x0  }
0x24: {  	s3 =	sadd.s32 $0x88, s3;
	s6 =	simm.s32 @!p1 $0x1082;
	[sflag:s4] =	ssyncset.s32 $0xFFFFF086  }
0x25: {  	[simem:s6], [sflag:s4] =	dma.local [hbm:s3], $0xF7A  }
0x26: {  	[smem:$0x3F9A] =	sst s1;
	(tag) =	ssettag s2;
	_ =	strace s9  }
0x27: {  	s1 =	sld [smem:$0x3FAA]  }
0x28: {  	s2 =	sld [smem:$0x3FAB]  }
0x29: {  	s4 =	sld [smem:$0x3FAD]  }
0x2a: {  	p0 =	seq.s32 s5, $0x0;
	s5 =	sld [smem:$0x3FAE]  }
0x2b: {  	s6 =	sld [smem:$0x3FAF]  }
0x2c: {  	s7 =	sld [smem:$0x3FB0]  }
0x2d: {  	s3 =	simm.s32 $0x108;
	s8 =	sld [smem:$0x3FB1]  }
0x2e: {  	s3 =	simm.s32 @!p0 $0x1082;
	s9 =	sld [smem:$0x3FB2]  }
0x2f: {  	lr =	sadd.s32 s0, s3;
	s0 =	sld [smem:$0x3FA9]  }
0x30: {  	s3 =	sld [smem:$0x3FAC]  }
0x31: {  	[smem:$0x3FB5] =	sst s10  }
0x32: {  	s10 =	sld [smem:$0x3FB3];
	_ =	sdelay $0x3  }
0x33: {  	p0 =	seq.s32 s10, $0x1;
	s10 =	sld [smem:$0x3FB5];
	_ =	sdelay $0x3  }
0x34: {  	[smem:$0x3FB5] =	sst s10  }
0x35: {  	s10 =	sld [smem:$0x3FB4];
	_ =	sdelay $0x3  }
0x36: {  	p1 =	seq.s32 s10, $0x1;
	s10 =	sld [smem:$0x3FB5];
	_ =	sdelay $0x3  }
0x37: {  	[smem:$0x3FB5] =	sst s10  }
0x38: {  	s10 =	sld [smem:$0x3FB6]  }
0x39: {  	_ = 	snop;
	(pc) =	sbr.ind lr, $3  }
0x3a: {  	_ = 	snop  }
0x3b: {  	_ = 	snop  }
0x3c: {  	p2 =	seq.s32 s10, $0x1;
	s10 =	sld [smem:$0x3FB5]  }
0x3d: {  	_ =	shalt  }
0x3e: {  	_ =	shalt  }
0x3f: {  	_ =	shalt  }
0x40: {  	_ =	shalt  }
0x41: {  	_ =	shalt  }
0x42: {  	_ =	shalt  }
0x43: {  	_ =	shalt  }
0x44: {  	_ =	shalt  }
0x45: {  	_ =	shalt  }
0x46: {  	_ =	shalt  }
0x47: {  	_ =	shalt  }
0x48: {  	_ =	shalt  }
0x49: {  	_ =	shalt  }
0x4a: {  	_ =	shalt  }
0x4b: {  	_ =	shalt  }
0x4c: {  	_ =	shalt  }
0x4d: {  	_ =	shalt  }
0x4e: {  	_ =	shalt  }
0x4f: {  	_ =	shalt  }
0x50: {  	_ =	shalt  }
0x51: {  	_ =	shalt  }
0x52: {  	_ =	shalt  }
0x53: {  	_ =	shalt  }
0x54: {  	_ =	shalt  }
0x55: {  	_ =	shalt  }
0x56: {  	_ =	shalt  }
0x57: {  	_ =	shalt  }
0x58: {  	_ =	shalt  }
0x59: {  	_ =	shalt  }
0x5a: {  	_ =	shalt  }
0x5b: {  	_ =	shalt  }
0x5c: {  	_ =	shalt  }
0x5d: {  	_ =	shalt  }
0x5e: {  	_ =	shalt  }
0x5f: {  	_ =	shalt  }
0x60: {  	_ =	shalt  }
0x61: {  	_ =	shalt  }
0x62: {  	_ =	shalt  }
0x63: {  	_ =	shalt  }
0x64: {  	_ =	shalt  }
0x65: {  	_ =	shalt  }
0x66: {  	_ =	shalt  }
0x67: {  	_ =	shalt  }
0x68: {  	_ =	shalt  }
0x69: {  	_ =	shalt  }
0x6a: {  	_ =	shalt  }
0x6b: {  	_ =	shalt  }
0x6c: {  	_ =	shalt  }
0x6d: {  	_ =	shalt  }
0x6e: {  	_ =	shalt  }
0x6f: {  	_ =	shalt  }
0x70: {  	_ =	shalt  }
0x71: {  	_ =	shalt  }
0x72: {  	_ =	shalt  }
0x73: {  	_ =	shalt  }
0x74: {  	_ =	shalt  }
0x75: {  	_ =	shalt  }
0x76: {  	_ =	shalt  }
0x77: {  	_ =	shalt  }
0x78: {  	_ =	shalt  }
0x79: {  	_ =	shalt  }
0x7a: {  	_ =	shalt  }
0x7b: {  	_ =	shalt  }
0x7c: {  	_ =	shalt  }
0x7d: {  	_ =	shalt  }
0x7e: {  	_ =	shalt  }
0x7f: {  	_ =	shalt  }
0x80: {  	_ =	shalt  }
0x81: {  	_ =	shalt  }
0x82: {  	_ =	shalt  }
0x83: {  	_ =	shalt  }
0x84: {  	_ =	shalt  }
0x85: {  	_ =	shalt  }
0x86: {  	_ =	shalt  }
0x87: {  	_ =	shalt  }
.Lfunc_end0:
.L_simem_size_0:
called_computation_lowered:
.L_overlay_start_0:
0x88: {  	s2 =	sld [smem:$0x3FD9]  }
0x89: {  	s3 =	sld [smem:$0x3FFE];
	_ =	sdelay $0x1  }
0x8a: {  	s1 =	srdreg.scid  }
0x8b: {  	s0 =	sand.u32 $0x1, s1  }
0x8c: {  	s17 =	sshll.u32 s0, $0xA;
	s2 =	sadd.s32 s3, s2  }
0x8d: {  	s2 =	sadd.s32 s2, s17  }
0x8e: {  	[smem:$0x3FC1] =	sst s2  }
0x8f: {  	_ = 	snop  }
0x90: {  	s2 =	sld [smem:$0x3FD0];
	(tm) =	ssettm $0x1  }
0x91: {  	s18 =	sld [smem:$0x3FFB];
	_ =	sdelay $0x3  }
0x92: {  	_ =	strace s18  }
0x93: {  	s3 =	sld [smem:$0x3FFC];
	_ =	sdelay $0x3  }
0x94: {  	_ =	strace s3  }
0x95: {  	s3 =	sld [smem:$0x3FFD];
	_ =	sdelay $0x3  }
0x96: {  	_ =	strace s3  }
0x97: {  	_ =	strace $0x8FFFFFFF  }
0x98: {  	s19 =	sld [smem:$0x3FDB];
	_ =	sdelay $0x1  }
0x99: {  	s4 =	simm.s32 $_scs_section_size  }
0x9a: {  	s5 =	simm.s32 $_size__tile_overlayer_lowered;
	s6 =	simm.s32 $_tile_overlayer_lowered  }
0x9b: {  	s22 =	simm.s32 $0x1BFF;
	s21 =	sshll.u32 s6, $0x1;
	s3 =	sadd.s32 s4, s19  }
0x9c: {  	s7 =	simm.s32 $0x0;
	s20 =	sshll.u32 s5, $0x1;
	s5 =	sadd.s32 s21, s3  }
0x9d: {  	[timem:s7], [sflag:s22] =	dma.local [hbm:s5], s20  }
0x9e: {  	_ =	swait.ge [sflag:s22], s20  }
0x9f: {  	s4 =	ssub.s32 $0x0, s20;
	[sflag:s22] =	ssyncset.done $0x0  }
0xa0: {  	[sflag:s22] =	ssyncadd.s32 s4;
	_ =	sdelay $0x1  }
0xa1: {  	s23 =	simm.s32 $0x1B8B  }
0xa2: {  	_ =	swait.ge [sflag:s23], $0x1  }
0xa3: {  	[sflag:s23] =	ssyncset.done $0x0  }
0xa4: {  	s25 =	simm.s32 $0x1B8E;
	s24 =	sld [smem:$0x3FFE];
	[sflag:s23] =	ssyncadd.s32 $0xFFFFFFFF  }
0xa5: {  	s26 =	simm.s32 $execute0_lowered;
	[smem:$0x3FD2] =	sst s25  }
0xa6: {  	s5 =	sshll.u32 s26, $0x1;
	_ =	strace $0x80000046;
	[dreg:$0x1] =	wrdreg $0xFFFFFFFF  }
0xa7: {  	s28 =	simm.s32 $_size_execute0_lowered;
	s3 =	sadd.s32 s3, s5;
	[dreg:$0x0] =	wrdreg $0x0  }
0xa8: {  	s5 =	sshll.u32 s28, $0x1;
	[dreg:$0x2] =	wrdreg s3  }
0xa9: {  	[dreg:$0x3] =	wrdreg s5  }
0xaa: {  	[dreg:$0x4] =	wrdreg $0xC0  }
0xab: {  	_ =	task [dreg:s7], $0x5FFFF  }
0xac: {  	[dreg:$0x1] =	wrdreg $0xFFFFFFFF  }
0xad: {  	[dreg:$0x0] =	wrdreg $0x60  }
0xae: {  	[dreg:$0x2] =	wrdreg s24  }
0xaf: {  	[dreg:$0x3] =	wrdreg s2  }
0xb0: {  	[dreg:$0x4] =	wrdreg $0x9  }
0xb1: {  	_ =	task.clear_ibuf [dreg:s7], $0x5FFFF;
	_ =	strace $0x90000046  }
0xb2: {  	s29 =	simm.s32 $0x9;
	_ =	strace $0x80000048  }
0xb3: {  	_ =	swait.ge [sflag:s29], $0x1  }
0xb4: {  	[sflag:s29] =	ssyncadd.s32 $0xFFFFFFFF  }
0xb5: {  	_ =	strace $0x90000048  }
0xb6: {  	_ =	sfence  }
0xb7: {  	s30 =	sld [smem:$0x0];
	_ =	sdelay $0x2  }
0xb8: {  	s31 =	sshll.u32 s1, $0xD;
	s1 =	sshrl.u32 s1, $0x2  }
0xb9: {  	s3 =	sand.u32 $0x4000, s31;
	s1 =	sadd.s32 s1, s30  }
0xba: {  	s0 =	sor.u32 s3, s0;
	s1 =	sshll.u32 s1, $0x11  }
0xbb: {  	s0 =	sor.u32 s1, s0  }
0xbc: {  	s0 =	sadd.s32 $0x8F2B, s0  }
0xbd: {  	[sflag:s0] =	ssyncadd.remote.s32 $0x1  }
0xbe: {  	_ =	sfence.sel $0xFFFF  }
0xbf: {  	[dreg:$0x0] =	wrdreg $0xFFFFFFFF;
	(pc) =	sbr.abs _section_cstart, $3  }
0xc0: {  	[dreg:$0x1] =	wrdreg $0xFFFFFFFF  }
0xc1: {  	_ =	task.clear_ibuf [dreg:s7], $0x2FFFF;
	_ =	strace $0x9FFFFFFF  }
0xc2: {  	(tm) =	ssettm $0x7FFFFFFF  }
0xc3: {  	_ =	shalt  }
tec
execute0_lowered:
.L_overlay_start_1:
0x0: {  	(tag) =	ssettag $0x1  }
0x1: {  	v0 =	vimm.s32 $0xFCCC9996;
	v1 =	vimm.s32 $0x66333000;
	v2 =	vimm.s32 $0xFDDDAAA7  }
0x2: {  	v3 =	vimm.s32 $0x77444111;
	v6 =	vimm.s32 $0x88555222;
	vm0 =	vcmask $0xB00  }
0x3: {  	vm12 =	vcmask $0x170C;
	vm13 =	vcmask $0x2318;
	vm14 =	vcmask $0x2F24  }
0x4: {  	vm15 =	vcmask $0x3B30;
	v7 =	vimm.s32 $0x3;
	v9 =	vimm.s32 $0x4  }
0x5: {  	v10 =	vimm.f32 $2.000000030e-01;
	v11 =	vlaneseq.u32;
	v12 =	vimm.s32 $0x0  }
0x6: {  	v13 =	vimm.s32 $0x5;
	v14 =	vimm.s32 $0x6;
	v0 =	vunpack.c.l.s4.s8 v0  }
0x7: {  	v15 =	vimm.s32 $0x7;
	v16 =	vimm.s32 $0x8;
	v1 =	vunpack.c.l.s4.s8 v1  }
0x8: {  	s0 =	rddreg [dreg:$0x0];
	v17 =	vimm.s32 $0x9;
	v18 =	vimm.s32 $0xA;
	v0 =	vunpack.c.0.s8.s32 v0  }
0x9: {  	s2 =	rddreg [dreg:$0x1];
	s3 =	simm.s32 $0x0;
	s5 =	srdreg.scid;
	v19 =	vimm.s32 $0xB;
	v2 =	vunpack.c.l.s4.s8 v2;
	v1 =	vunpack.c.0.s8.s32 v1  }
0xa: {  	s4 =	stileid.u32;
	s10 =	simm.s32 $0x1;
	s11 =	simm.s32 $0x80;
	v3 =	vunpack.c.l.s4.s8 v3;
	v4 =	vand.u32 $0xF, v0;
	v0 =	vimm.s32 $0xFEEEBBB8  }
0xb: {  	s12 =	simm.s32 $0x400;
	s13 =	simm.s32 $0xC080;
	s14 =	simm.s32 $0x2;
	v5 =	vunpack.c.l.s4.s8 v0;
	v1 =	vcombine.low v1, v4;
	v4 =	vunpack.c.l.s4.s8 v6  }
0xc: {  	s15 =	simm.s32 $0xC880;
	v20 =	vimm.s32 $0xC;
	s16 =	simm.s32 $0xD080;
	s17 =	simm.s32 $0x3;
	v2 =	vunpack.c.0.s8.s32 v2;
	v3 =	vunpack.c.0.s8.s32 v3  }
0xd: {  	s18 =	simm.s32 $0xD880;
	s19 =	simm.s32 $0x4;
	s20 =	simm.s32 $0x5;
	v6 =	vimm.s32 $0xA050;
	v5 =	vunpack.c.0.s8.s32 v5;
	v4 =	vunpack.c.0.s8.s32 v4  }
0xe: {  	v21 =	vimm.s32 $0xD;
	s21 =	simm.s32 $0x0;
	[smem:$0x7FF] =	sst s3;
	s5 =	sand.u32 $0x1, s5;
	v2 =	vand.u32 $0xF, v2;
	v6 =	vsel vm0, $0x0, v6  }
0xf: {  	s6 =	sshll.u32 s4, $0x7;
	s7 =	ssub.s32 $0x2, s5;
	s5 =	sshll.u32 s5, $0x6;
	v2 =	vcombine.low v3, v2;
	v3 =	vcombine.low v4, v5;
	v5 =	vsel vm12, $0x2010, v6  }
0x10: {  	v22 =	vimm.s32 $0xE;
	v23 =	vmul.u32 $0x80, v11;
	_ =	strace $0x80000047;
	s8 =	sshrl.u32 s7, $0x1;
	s5 =	sor.u32 s5, s6;
	v6 =	vsel vm13, $0x4020, v5  }
0x11: {  	s6 =	sadd.s32 $0x1A00, s0;
	s9 =	ssub.s32 s7, s8;
	s31 =	sshll.u32 s5, $0x8;
	v0 =	vimm.s32 $0x1;
	v4 =	vimm.s32 $0x2;
	v8 =	vsel vm14, $0x6030, v6  }
0x12: {  	s7 =	sor.u32 $0x3F, s5;
	s8 =	sadd.s32 s6, s31;
	s9 =	smax.u32 s9, $0x1;
	v5 =	vimm.f32 $3.333333430e-01;
	v6 =	vimm.s32 $0xF;
	v8 =	vsel vm15, $0x8040, v8  }
.LBB2_1:
0x13: {  	[tilespmem:s3], [sflag:$0x1] =	stream.linear.gather [hbm4b:s0+s3], $0xC080, $0x38;
	[tilespmem:$0xE080] =	vst v63  }
0x14: {  	_ =	swait.ge [sflag:s10], $0xC080  }
0x15: {  	[sflag:s10] =	ssyncset.done $0x0  }
0x16: {  	s22 =	simm.s32 $0x0;
	[sflag:s10] =	ssyncadd.s32 $0xFFFF3F80  }
0x17: {  	[tilespmem:s13], [sflag:$0x2] =	stream.strided.gather [hbm4b:s8+s11], $0x800, s12, s11, $0x38;
	[tilespmem:$0xE080] =	vst v63  }
.LBB2_2:
0x18: {  	s23 =	sshll.u32 s22, $0x1  }
0x19: {  	s26 =	sadd.s32 s5, s23  }
0x1a: {  	s25 =	sshll.u32 s22, $0x5;
	s23 =	sshll.u32 s26, $0x8  }
0x1b: {  	s25 =	sand.u32 $0x60, s25;
	s24 =	sand.u32 $0x7F800, s23  }
0x1c: {  	_ =	swait.ge [sflag:s14], $0x800;
	s23 =	sor.u32 s25, s24  }
0x1d: {  	[sflag:s14] =	ssyncset.done $0x0;
	s23 =	sor.u32 $0x10, s23  }
0x1e: {  	p0 =	seq.s32 s22, $0x0;
	[sflag:s14] =	ssyncadd.s32 $0xFFFFF800;
	s28 =	sadd.s32 s6, s23  }
0x1f: {  	[tilespmem:s15], [sflag:$0x3] =	stream.strided.gather [hbm4b:s28+s11], $0x800, s12, s11, $0x38;
	[tilespmem:$0xE080] =	vst v63  }
0x20: {  	s28 =	simm.s32 @!p0 $0x4  }
0x21: {  	_ =	swait.ge @!p0 [sflag:s28], $0x800  }
0x22: {  	[sflag:s28] =	ssyncset.done @!p0 $0x0  }
0x23: {  	s29 =	simm.s32 $0xC080;
	[sflag:s28] =	ssyncadd.s32 @!p0 $0xFFFFF800  }
0x24: {  	s26 =	sadd.s32 $0x2, s26;
	v24 =	vld [tilespmem:s29+$0x0]  }
0x25: {  	s30 =	simm.s32 $0x1;
	s26 =	smin.u32 s26, s7;
	s28 =	simm.s32 $0x0  }
.LBB2_3:
0x26: {  	p1 =	sne.s32 s30, $0x7F;
	_ =	sdelay $0x2  }
0x27: {  	v25 =	vshll.u32 v24, $0x4  }
0x28: {  	v25 =	vadd.s32 v8, v25  }
0x29: {  	(v2sf) =	vpush v25, $0x0  }
0x2a: {  	(v2sf) =	vpush v25, $0x1;
	_ =	sdelay $0x1  }
0x2b: {  	(v2sf) =	vpush v25, $0x2;
	_ =	sdelay $0x1  }
0x2c: {  	(v2sf) =	vpush v25, $0x3;
	_ =	sdelay $0x1  }
0x2d: {  	vm0 =	vlt.s32 v24, $0x1;
	(v2sf) =	vpush v25, $0x4  }
0x2e: {  	v26 =	vnsel vm0, $0x1, v24;
	v24 =	vperm.xlane v24, v6;
	(v2sf) =	vpush v25, $0x7  }
0x2f: {  	v27 =	vperm.xlane v26, v1;
	v28 =	vperm.xlane v26, v2;
	(v2sf) =	vpush v25, $0x5  }
0x30: {  	v26 =	vperm.xlane v26, v3;
	v24 =	vadd.s32 $0xFFFFFFFF, v24;
	(v2sf) =	vpush v25, $0x6  }
0x31: {  	v27 =	vadd.s32 v27, v28;
	vm0 =	vlt.s32 v24, $0x2;
	vm1 =	veq.s32 v24, $0x4  }
0x32: {  	vm2 =	veq.s32 v24, $0x3;
	v26 =	vadd.s32 v26, v27;
	v27 =	vsel vm1, $0x3E800000, v10  }
0x33: {  	vm3 =	veq.s32 v24, $0x2;
	vm1 =	veq.s32 v26, $0x2;
	v24 =	vsel vm2, $0x3EAAAAAB, v27  }
0x34: {  	vm2 =	vlt.s32 v26, $0x2;
	v26 =	vsel vm1, $0x3F000000, v5;
	v24 =	vsel vm3, $0x3F000000, v24  }
0x35: {  	v26 =	vsel vm2, $0x3F800000, v26;
	v24 =	vsel vm0, $0x3F800000, v24;
	s31 =	spop (v2sf);
	(v2sf) =	vpush v25, $0x8  }
0x36: {  	v24 =	vmul.f32 v24, v26;
	v26 =	vld [tilespmem:s31+$0x0];
	s31 =	spop (v2sf)  }
0x37: {  	vm0 =	veq.s32 v11, $0xF;
	v27 =	vld [tilespmem:s31+$0x0];
	(v2sf) =	vpush v25, $0x9  }
0x38: {  	v24 =	vsel vm0, $0x3F800000, v24;
	s31 =	spop (v2sf)  }
0x39: {  	v28 =	vperm.xlane v24, v12;
	v29 =	vperm.xlane v24, v0;
	v30 =	vld [tilespmem:s31+$0x0];
	(v2sf) =	vpush v25, $0xA  }
0x3a: {  	s31 =	spop (v2sf);
	(v2sf) =	vpush v25, $0xB  }
0x3b: {  	v31 =	vperm.xlane v24, v4;
	v28 =	vpack.i.f32.bf16 v28, v28;
	v29 =	vpack.i.f32.bf16 v29, v29;
	v32 =	vld [tilespmem:s31+$0x0]  }
0x3c: {  	v26 =	vmul.bf16 v28, v26;
	v27 =	vmul.bf16 v29, v27;
	s31 =	spop (v2sf)  }
0x3d: {  	v28 =	vpack.i.f32.bf16 v31, v31;
	v29 =	vperm.xlane v24, v7;
	v31 =	vld [tilespmem:s31+$0x0];
	s31 =	spop (v2sf);
	(v2sf) =	vpush v25, $0xC  }
0x3e: {  	v26 =	vadd.bf16 v27, v26;
	v27 =	vmul.bf16 v28, v30;
	s1 =	spop (v2sf)  }
0x3f: {  	v28 =	vpack.i.f32.bf16 v29, v29;
	v29 =	vperm.xlane v24, v9;
	v30 =	vld [tilespmem:s1+$0x0];
	s1 =	spop (v2sf);
	(v2sf) =	vpush v25, $0xD  }
0x40: {  	v26 =	vadd.bf16 v27, v26;
	v27 =	vmul.bf16 v28, v32  }
0x41: {  	v28 =	vpack.i.f32.bf16 v29, v29;
	v29 =	vperm.xlane v24, v13;
	v32 =	vld [tilespmem:s1+$0x0];
	(v2sf) =	vpush v25, $0xE  }
0x42: {  	v26 =	vadd.bf16 v27, v26;
	v27 =	vmul.bf16 v28, v31  }
0x43: {  	v28 =	vpack.i.f32.bf16 v29, v29;
	v29 =	vperm.xlane v24, v14;
	v31 =	vld [tilespmem:s31+$0x0];
	(v2sf) =	vpush v25, $0xF  }
0x44: {  	v25 =	vadd.bf16 v27, v26;
	v26 =	vmul.bf16 v28, v30;
	s1 =	spop (v2sf)  }
0x45: {  	v27 =	vpack.i.f32.bf16 v29, v29;
	v28 =	vperm.xlane v24, v15;
	v29 =	vld [tilespmem:s1+$0x0]  }
0x46: {  	v25 =	vadd.bf16 v26, v25;
	v26 =	vmul.bf16 v27, v32;
	s1 =	spop (v2sf)  }
0x47: {  	v27 =	vpack.i.f32.bf16 v28, v28;
	v28 =	vperm.xlane v24, v16;
	v30 =	vld [tilespmem:s1+$0x0]  }
0x48: {  	v25 =	vadd.bf16 v26, v25;
	v26 =	vmul.bf16 v27, v31;
	s1 =	spop (v2sf)  }
0x49: {  	v27 =	vpack.i.f32.bf16 v28, v28;
	v28 =	vperm.xlane v24, v17;
	v31 =	vld [tilespmem:s1+$0x0];
	s1 =	spop (v2sf)  }
0x4a: {  	v25 =	vadd.bf16 v26, v25;
	v26 =	vmul.bf16 v27, v29  }
0x4b: {  	v27 =	vpack.i.f32.bf16 v28, v28;
	v28 =	vperm.xlane v24, v18;
	v29 =	vld [tilespmem:s1+$0x0]  }
0x4c: {  	v25 =	vadd.bf16 v26, v25;
	v26 =	vmul.bf16 v27, v30;
	s1 =	spop (v2sf)  }
0x4d: {  	v27 =	vpack.i.f32.bf16 v28, v28;
	v28 =	vperm.xlane v24, v19;
	v30 =	vld [tilespmem:s1+$0x0]  }
0x4e: {  	v25 =	vadd.bf16 v26, v25;
	v26 =	vmul.bf16 v27, v31;
	s1 =	spop (v2sf)  }
0x4f: {  	v27 =	vpack.i.f32.bf16 v28, v28;
	v28 =	vperm.xlane v24, v20;
	v31 =	vld [tilespmem:s1+$0x0]  }
0x50: {  	v25 =	vadd.bf16 v26, v25;
	v26 =	vmul.bf16 v27, v29;
	s1 =	spop (v2sf)  }
0x51: {  	v27 =	vpack.i.f32.bf16 v28, v28;
	v28 =	vperm.xlane v24, v21;
	v29 =	vld [tilespmem:s1+$0x0]  }
0x52: {  	v25 =	vadd.bf16 v26, v25;
	v26 =	vmul.bf16 v27, v30;
	s1 =	spop (v2sf)  }
0x53: {  	v27 =	vpack.i.f32.bf16 v28, v28;
	v28 =	vperm.xlane v24, v22;
	v30 =	vld [tilespmem:s1+$0x0]  }
0x54: {  	v25 =	vadd.bf16 v26, v25;
	v26 =	vmul.bf16 v27, v31  }
0x55: {  	v24 =	vperm.xlane v24, v6;
	v27 =	vpack.i.f32.bf16 v28, v28  }
0x56: {  	v25 =	vadd.bf16 v26, v25;
	v26 =	vmul.bf16 v27, v29  }
0x57: {  	v24 =	vpack.i.f32.bf16 v24, v24;
	v27 =	vor.u32 s28, v23;
	s28 =	smov.u32 s30  }
0x58: {  	v25 =	vadd.bf16 v26, v25;
	v24 =	vmul.bf16 v24, v30;
	_ =	sdelay $0x1  }
.Ltmp0:
0x59: {  	v24 =	vadd.bf16 v24, v25;
	(pc) =	sbr.rel @p1 .LBB2_3-.Ltmp0, $4  }
0x5a: {  	_ = 	snop  }
0x5b: {  	s29 =	sadd.s32 $0x10, s29;
	[tilespmem:v27+s16+$0x0] =	vst.idx.msk $0xffff, v24  }
0x5c: {  	v24 =	vld [tilespmem:s29+$0x0]  }
0x5d: {  	s30 =	sadd.s32 $0x1, s30  }
0x5e: {  	_ =	sdelay $0x2  }
0x5f: {  	v25 =	vshll.u32 v24, $0x4  }
0x60: {  	v25 =	vadd.s32 v8, v25  }
0x61: {  	(v2sf) =	vpush v25, $0x0  }
0x62: {  	(v2sf) =	vpush v25, $0x1;
	_ =	sdelay $0x1  }
0x63: {  	(v2sf) =	vpush v25, $0x2;
	_ =	sdelay $0x1  }
0x64: {  	(v2sf) =	vpush v25, $0x3  }
0x65: {  	vm1 =	vlt.s32 v24, $0x1  }
0x66: {  	v26 =	vnsel vm1, $0x1, v24;
	v24 =	vperm.xlane v24, v6;
	(v2sf) =	vpush v25, $0x4  }
0x67: {  	v27 =	vperm.xlane v26, v1;
	v28 =	vperm.xlane v26, v2;
	(v2sf) =	vpush v25, $0x7  }
0x68: {  	(v2sf) =	vpush v25, $0x5  }
0x69: {  	v26 =	vperm.xlane v26, v3;
	v24 =	vadd.s32 $0xFFFFFFFF, v24;
	v27 =	vadd.s32 v27, v28  }
0x6a: {  	vm13 =	vlt.s32 v24, $0x2;
	vm2 =	veq.s32 v24, $0x4;
	(v2sf) =	vpush v25, $0x6  }
0x6b: {  	vm3 =	veq.s32 v24, $0x3;
	v26 =	vadd.s32 v26, v27;
	v27 =	vsel vm2, $0x3E800000, v10  }
0x6c: {  	vm4 =	veq.s32 v24, $0x2;
	vm14 =	veq.s32 v26, $0x2;
	v24 =	vsel vm3, $0x3EAAAAAB, v27  }
0x6d: {  	vm15 =	vlt.s32 v26, $0x2;
	v26 =	vsel vm14, $0x3F000000, v5;
	v24 =	vsel vm4, $0x3F000000, v24  }
0x6e: {  	v26 =	vsel vm15, $0x3F800000, v26;
	v24 =	vsel vm13, $0x3F800000, v24;
	s1 =	spop (v2sf);
	(v2sf) =	vpush v25, $0x8  }
0x6f: {  	v24 =	vmul.f32 v24, v26;
	v26 =	vld [tilespmem:s1+$0x0];
	s29 =	spop (v2sf)  }
0x70: {  	(v2sf) =	vpush v25, $0x9;
	v27 =	vld [tilespmem:s29+$0x0]  }
0x71: {  	v24 =	vsel vm0, $0x3F800000, v24;
	s30 =	spop (v2sf)  }
0x72: {  	v35 =	vperm.xlane v24, v12;
	v29 =	vperm.xlane v24, v0;
	(v2sf) =	vpush v25, $0xA;
	v30 =	vld [tilespmem:s30+$0x0]  }
0x73: {  	v31 =	vperm.xlane v24, v4;
	s31 =	spop (v2sf)  }
0x74: {  	v28 =	vpack.i.f32.bf16 v35, v35;
	v29 =	vpack.i.f32.bf16 v29, v29;
	(v2sf) =	vpush v25, $0xB;
	v32 =	vld [tilespmem:s31+$0x0]  }
0x75: {  	s29 =	spop (v2sf);
	v26 =	vmul.bf16 v28, v26;
	v27 =	vmul.bf16 v29, v27  }
0x76: {  	v37 =	vperm.xlane v24, v7;
	v36 =	vpack.i.f32.bf16 v31, v31;
	(v2sf) =	vpush v25, $0xC;
	v38 =	vld [tilespmem:s29+$0x0];
	s30 =	spop (v2sf)  }
0x77: {  	s29 =	spop (v2sf);
	v26 =	vadd.bf16 v27, v26;
	v27 =	vmul.bf16 v36, v30  }
0x78: {  	v40 =	vperm.xlane v24, v9;
	v39 =	vpack.i.f32.bf16 v37, v37;
	(v2sf) =	vpush v25, $0xD;
	v41 =	vld [tilespmem:s29+$0x0]  }
0x79: {  	s31 =	spop (v2sf);
	v26 =	vadd.bf16 v27, v26;
	v27 =	vmul.bf16 v39, v32  }
0x7a: {  	v43 =	vperm.xlane v24, v13;
	v42 =	vpack.i.f32.bf16 v40, v40;
	(v2sf) =	vpush v25, $0xE;
	v44 =	vld [tilespmem:s31+$0x0]  }
0x7b: {  	v26 =	vadd.bf16 v27, v26;
	v27 =	vmul.bf16 v42, v38  }
0x7c: {  	v46 =	vperm.xlane v24, v14;
	v45 =	vpack.i.f32.bf16 v43, v43;
	v47 =	vld [tilespmem:s30+$0x0];
	(v2sf) =	vpush v25, $0xF  }
0x7d: {  	v25 =	vadd.bf16 v27, v26;
	v26 =	vmul.bf16 v45, v41;
	s30 =	spop (v2sf)  }
0x7e: {  	v48 =	vperm.xlane v24, v15;
	v27 =	vpack.i.f32.bf16 v46, v46;
	v49 =	vld [tilespmem:s30+$0x0]  }
0x7f: {  	s31 =	spop (v2sf);
	v25 =	vadd.bf16 v26, v25;
	v26 =	vmul.bf16 v27, v44  }
0x80: {  	v50 =	vperm.xlane v24, v16;
	v27 =	vpack.i.f32.bf16 v48, v48;
	v51 =	vld [tilespmem:s31+$0x0]  }
0x81: {  	s29 =	spop (v2sf);
	v25 =	vadd.bf16 v26, v25;
	v26 =	vmul.bf16 v27, v47  }
0x82: {  	v52 =	vperm.xlane v24, v17;
	v53 =	vld [tilespmem:s29+$0x0];
	v27 =	vpack.i.f32.bf16 v50, v50  }
0x83: {  	s30 =	spop (v2sf);
	v25 =	vadd.bf16 v26, v25;
	v26 =	vmul.bf16 v27, v49  }
0x84: {  	v54 =	vperm.xlane v24, v18;
	v55 =	vld [tilespmem:s30+$0x0];
	v27 =	vpack.i.f32.bf16 v52, v52  }
0x85: {  	s31 =	spop (v2sf);
	v25 =	vadd.bf16 v26, v25;
	v26 =	vmul.bf16 v27, v51  }
0x86: {  	v56 =	vperm.xlane v24, v19;
	v57 =	vld [tilespmem:s31+$0x0];
	v27 =	vpack.i.f32.bf16 v54, v54  }
0x87: {  	s29 =	spop (v2sf);
	v25 =	vadd.bf16 v26, v25;
	v26 =	vmul.bf16 v27, v53  }
0x88: {  	v58 =	vperm.xlane v24, v20;
	v59 =	vld [tilespmem:s29+$0x0];
	v27 =	vpack.i.f32.bf16 v56, v56  }
0x89: {  	s30 =	spop (v2sf);
	v25 =	vadd.bf16 v26, v25;
	v26 =	vmul.bf16 v27, v55  }
0x8a: {  	v60 =	vperm.xlane v24, v21;
	v61 =	vld [tilespmem:s30+$0x0];
	v27 =	vpack.i.f32.bf16 v58, v58  }
0x8b: {  	s31 =	spop (v2sf);
	v25 =	vadd.bf16 v26, v25;
	v26 =	vmul.bf16 v27, v57  }
0x8c: {  	v62 =	vperm.xlane v24, v22;
	v63 =	vld [tilespmem:s31+$0x0];
	v27 =	vpack.i.f32.bf16 v60, v60  }
0x8d: {  	v25 =	vadd.bf16 v26, v25;
	v26 =	vmul.bf16 v27, v59  }
0x8e: {  	v24 =	vperm.xlane v24, v6;
	v27 =	vpack.i.f32.bf16 v62, v62  }
0x8f: {  	v25 =	vadd.bf16 v26, v25;
	v26 =	vmul.bf16 v27, v61  }
0x90: {  	v24 =	vpack.i.f32.bf16 v24, v24;
	v27 =	vor.u32 s28, v23  }
0x91: {  	v24 =	vmul.bf16 v24, v63;
	v25 =	vadd.bf16 v26, v25;
	_ =	sdelay $0x1  }
0x92: {  	v24 =	vadd.bf16 v24, v25  }
0x93: {  	s29 =	sadd.s32 s2, s25  }
0x94: {  	s1 =	sadd.s32 s24, s29;
	s30 =	sshll.u32 s26, $0x4;
	[tilespmem:v27+s16+$0x0] =	vst.idx.msk $0xffff, v24  }
0x95: {  	[hbm4b:s1+s11] =	stream.strided.scatter [tilespmem:s16], [sflag:$0x4], $0x800, s12, s11, $0x38;
	[tilespmem:$0xE080] =	vst v63  }
0x96: {  	s31 =	sshll.u32 s26, $0x8;
	s1 =	sand.u32 $0x70, s30;
	_ =	swait.ge [sflag:s17], $0x800  }
0x97: {  	s24 =	sand.u32 $0x7F800, s31;
	s1 =	sadd.s32 s6, s1;
	[sflag:s17] =	ssyncset.done $0x0  }
0x98: {  	s1 =	sadd.s32 s24, s1;
	[sflag:s17] =	ssyncadd.s32 $0xFFFFF800  }
0x99: {  	[tilespmem:s13], [sflag:$0x2] =	stream.strided.gather [hbm4b:s1+s11], $0x800, s12, s11, $0x38;
	[tilespmem:$0xE080] =	vst v63  }
0x9a: {  	s1 =	simm.s32 @!p0 $0x5  }
0x9b: {  	_ =	swait.ge @!p0 [sflag:s1], $0x800  }
0x9c: {  	[sflag:s1] =	ssyncset.done @!p0 $0x0  }
0x9d: {  	s25 =	simm.s32 $0xC880;
	[sflag:s1] =	ssyncadd.s32 @!p0 $0xFFFFF800  }
0x9e: {  	v24 =	vld [tilespmem:s25+$0x0]  }
0x9f: {  	s26 =	simm.s32 $0x1;
	s24 =	simm.s32 $0x0  }
.LBB2_5:
0xa0: {  	p0 =	sne.s32 s26, $0x7F;
	_ =	sdelay $0x2  }
0xa1: {  	v25 =	vshll.u32 v24, $0x4  }
0xa2: {  	v25 =	vadd.s32 v8, v25  }
0xa3: {  	(v2sf) =	vpush v25, $0x0  }
0xa4: {  	(v2sf) =	vpush v25, $0x1;
	_ =	sdelay $0x1  }
0xa5: {  	(v2sf) =	vpush v25, $0x2;
	_ =	sdelay $0x1  }
0xa6: {  	(v2sf) =	vpush v25, $0x3;
	_ =	sdelay $0x1  }
0xa7: {  	vm0 =	vlt.s32 v24, $0x1;
	(v2sf) =	vpush v25, $0x4  }
0xa8: {  	v26 =	vnsel vm0, $0x1, v24;
	v24 =	vperm.xlane v24, v6;
	(v2sf) =	vpush v25, $0x7  }
0xa9: {  	v27 =	vperm.xlane v26, v1;
	v28 =	vperm.xlane v26, v2;
	(v2sf) =	vpush v25, $0x5  }
0xaa: {  	v26 =	vperm.xlane v26, v3;
	v24 =	vadd.s32 $0xFFFFFFFF, v24;
	(v2sf) =	vpush v25, $0x6  }
0xab: {  	v27 =	vadd.s32 v27, v28;
	vm0 =	vlt.s32 v24, $0x2;
	vm1 =	veq.s32 v24, $0x4  }
0xac: {  	vm2 =	veq.s32 v24, $0x3;
	v26 =	vadd.s32 v26, v27;
	v27 =	vsel vm1, $0x3E800000, v10  }
0xad: {  	vm3 =	veq.s32 v24, $0x2;
	vm1 =	veq.s32 v26, $0x2;
	v24 =	vsel vm2, $0x3EAAAAAB, v27  }
0xae: {  	vm2 =	vlt.s32 v26, $0x2;
	v26 =	vsel vm1, $0x3F000000, v5;
	v24 =	vsel vm3, $0x3F000000, v24  }
0xaf: {  	v26 =	vsel vm2, $0x3F800000, v26;
	v24 =	vsel vm0, $0x3F800000, v24;
	s1 =	spop (v2sf);
	(v2sf) =	vpush v25, $0x8  }
0xb0: {  	v24 =	vmul.f32 v24, v26;
	v26 =	vld [tilespmem:s1+$0x0];
	s1 =	spop (v2sf)  }
0xb1: {  	vm0 =	veq.s32 v11, $0xF;
	v27 =	vld [tilespmem:s1+$0x0];
	(v2sf) =	vpush v25, $0x9  }
0xb2: {  	v24 =	vsel vm0, $0x3F800000, v24;
	s1 =	spop (v2sf)  }
0xb3: {  	v28 =	vperm.xlane v24, v12;
	v29 =	vperm.xlane v24, v0;
	v30 =	vld [tilespmem:s1+$0x0];
	(v2sf) =	vpush v25, $0xA  }
0xb4: {  	s1 =	spop (v2sf);
	(v2sf) =	vpush v25, $0xB  }
0xb5: {  	v31 =	vperm.xlane v24, v4;
	v28 =	vpack.i.f32.bf16 v28, v28;
	v29 =	vpack.i.f32.bf16 v29, v29;
	v32 =	vld [tilespmem:s1+$0x0]  }
0xb6: {  	v26 =	vmul.bf16 v28, v26;
	v27 =	vmul.bf16 v29, v27;
	s1 =	spop (v2sf)  }
0xb7: {  	v28 =	vpack.i.f32.bf16 v31, v31;
	v29 =	vperm.xlane v24, v7;
	v31 =	vld [tilespmem:s1+$0x0];
	s1 =	spop (v2sf);
	(v2sf) =	vpush v25, $0xC  }
0xb8: {  	v26 =	vadd.bf16 v27, v26;
	v27 =	vmul.bf16 v28, v30;
	s28 =	spop (v2sf)  }
0xb9: {  	v28 =	vpack.i.f32.bf16 v29, v29;
	v29 =	vperm.xlane v24, v9;
	v30 =	vld [tilespmem:s28+$0x0];
	s28 =	spop (v2sf);
	(v2sf) =	vpush v25, $0xD  }
0xba: {  	v26 =	vadd.bf16 v27, v26;
	v27 =	vmul.bf16 v28, v32  }
0xbb: {  	v28 =	vpack.i.f32.bf16 v29, v29;
	v29 =	vperm.xlane v24, v13;
	v32 =	vld [tilespmem:s28+$0x0];
	(v2sf) =	vpush v25, $0xE  }
0xbc: {  	v26 =	vadd.bf16 v27, v26;
	v27 =	vmul.bf16 v28, v31  }
0xbd: {  	v28 =	vpack.i.f32.bf16 v29, v29;
	v29 =	vperm.xlane v24, v14;
	v31 =	vld [tilespmem:s1+$0x0];
	(v2sf) =	vpush v25, $0xF  }
0xbe: {  	v25 =	vadd.bf16 v27, v26;
	v26 =	vmul.bf16 v28, v30;
	s1 =	spop (v2sf)  }
0xbf: {  	v27 =	vpack.i.f32.bf16 v29, v29;
	v28 =	vperm.xlane v24, v15;
	v29 =	vld [tilespmem:s1+$0x0]  }
0xc0: {  	v25 =	vadd.bf16 v26, v25;
	v26 =	vmul.bf16 v27, v32;
	s1 =	spop (v2sf)  }
0xc1: {  	v27 =	vpack.i.f32.bf16 v28, v28;
	v28 =	vperm.xlane v24, v16;
	v30 =	vld [tilespmem:s1+$0x0]  }
0xc2: {  	v25 =	vadd.bf16 v26, v25;
	v26 =	vmul.bf16 v27, v31;
	s1 =	spop (v2sf)  }
0xc3: {  	v27 =	vpack.i.f32.bf16 v28, v28;
	v28 =	vperm.xlane v24, v17;
	v31 =	vld [tilespmem:s1+$0x0];
	s1 =	spop (v2sf)  }
0xc4: {  	v25 =	vadd.bf16 v26, v25;
	v26 =	vmul.bf16 v27, v29  }
0xc5: {  	v27 =	vpack.i.f32.bf16 v28, v28;
	v28 =	vperm.xlane v24, v18;
	v29 =	vld [tilespmem:s1+$0x0]  }
0xc6: {  	v25 =	vadd.bf16 v26, v25;
	v26 =	vmul.bf16 v27, v30;
	s1 =	spop (v2sf)  }
0xc7: {  	v27 =	vpack.i.f32.bf16 v28, v28;
	v28 =	vperm.xlane v24, v19;
	v30 =	vld [tilespmem:s1+$0x0]  }
0xc8: {  	v25 =	vadd.bf16 v26, v25;
	v26 =	vmul.bf16 v27, v31;
	s1 =	spop (v2sf)  }
0xc9: {  	v27 =	vpack.i.f32.bf16 v28, v28;
	v28 =	vperm.xlane v24, v20;
	v31 =	vld [tilespmem:s1+$0x0]  }
0xca: {  	v25 =	vadd.bf16 v26, v25;
	v26 =	vmul.bf16 v27, v29;
	s1 =	spop (v2sf)  }
0xcb: {  	v27 =	vpack.i.f32.bf16 v28, v28;
	v28 =	vperm.xlane v24, v21;
	v29 =	vld [tilespmem:s1+$0x0]  }
0xcc: {  	v25 =	vadd.bf16 v26, v25;
	v26 =	vmul.bf16 v27, v30;
	s1 =	spop (v2sf)  }
0xcd: {  	v27 =	vpack.i.f32.bf16 v28, v28;
	v28 =	vperm.xlane v24, v22;
	v30 =	vld [tilespmem:s1+$0x0]  }
0xce: {  	v25 =	vadd.bf16 v26, v25;
	v26 =	vmul.bf16 v27, v31  }
0xcf: {  	v24 =	vperm.xlane v24, v6;
	v27 =	vpack.i.f32.bf16 v28, v28  }
0xd0: {  	v25 =	vadd.bf16 v26, v25;
	v26 =	vmul.bf16 v27, v29  }
0xd1: {  	v24 =	vpack.i.f32.bf16 v24, v24;
	v27 =	vor.u32 s24, v23;
	s24 =	smov.u32 s26  }
0xd2: {  	v25 =	vadd.bf16 v26, v25;
	v24 =	vmul.bf16 v24, v30;
	_ =	sdelay $0x1  }
.Ltmp1:
0xd3: {  	v24 =	vadd.bf16 v24, v25;
	(pc) =	sbr.rel @p0 .LBB2_5-.Ltmp1, $4  }
0xd4: {  	_ = 	snop  }
0xd5: {  	s25 =	sadd.s32 $0x10, s25;
	[tilespmem:v27+s18+$0x0] =	vst.idx.msk $0xffff, v24  }
0xd6: {  	v24 =	vld [tilespmem:s25+$0x0]  }
0xd7: {  	s26 =	sadd.s32 $0x1, s26  }
0xd8: {  	_ =	sdelay $0x2  }
0xd9: {  	v25 =	vshll.u32 v24, $0x4  }
0xda: {  	v25 =	vadd.s32 v8, v25  }
0xdb: {  	(v2sf) =	vpush v25, $0x0  }
0xdc: {  	(v2sf) =	vpush v25, $0x1;
	_ =	sdelay $0x1  }
0xdd: {  	(v2sf) =	vpush v25, $0x2;
	_ =	sdelay $0x1  }
0xde: {  	(v2sf) =	vpush v25, $0x3  }
0xdf: {  	vm1 =	vlt.s32 v24, $0x1  }
0xe0: {  	v36 =	vperm.xlane v24, v6;
	v26 =	vnsel vm1, $0x1, v24;
	(v2sf) =	vpush v25, $0x4  }
0xe1: {  	v27 =	vperm.xlane v26, v1;
	(v2sf) =	vpush v25, $0x7  }
0xe2: {  	v28 =	vperm.xlane v26, v2;
	v24 =	vadd.s32 $0xFFFFFFFF, v36;
	(v2sf) =	vpush v25, $0x5  }
0xe3: {  	v26 =	vperm.xlane v26, v3;
	vm13 =	vlt.s32 v24, $0x2  }
0xe4: {  	vm2 =	veq.s32 v24, $0x4;
	v27 =	vadd.s32 v27, v28;
	(v2sf) =	vpush v25, $0x6  }
0xe5: {  	vm3 =	veq.s32 v24, $0x3;
	v37 =	vsel vm2, $0x3E800000, v10;
	v26 =	vadd.s32 v26, v27  }
0xe6: {  	vm4 =	veq.s32 v24, $0x2;
	v38 =	vsel vm3, $0x3EAAAAAB, v37;
	vm14 =	veq.s32 v26, $0x2  }
0xe7: {  	vm15 =	vlt.s32 v26, $0x2;
	v24 =	vsel vm4, $0x3F000000, v38;
	v39 =	vsel vm14, $0x3F000000, v5  }
0xe8: {  	v24 =	vsel vm13, $0x3F800000, v24;
	v26 =	vsel vm15, $0x3F800000, v39;
	s1 =	spop (v2sf);
	(v2sf) =	vpush v25, $0x8  }
0xe9: {  	v24 =	vmul.f32 v24, v26;
	v40 =	vld [tilespmem:s1+$0x0];
	s29 =	spop (v2sf)  }
0xea: {  	(v2sf) =	vpush v25, $0x9;
	v41 =	vld [tilespmem:s29+$0x0]  }
0xeb: {  	v24 =	vsel vm0, $0x3F800000, v24;
	s30 =	spop (v2sf)  }
0xec: {  	v42 =	vperm.xlane v24, v12;
	v29 =	vperm.xlane v24, v0;
	(v2sf) =	vpush v25, $0xA;
	v30 =	vld [tilespmem:s30+$0x0]  }
0xed: {  	v31 =	vperm.xlane v24, v4;
	s31 =	spop (v2sf)  }
0xee: {  	v28 =	vpack.i.f32.bf16 v42, v42;
	v29 =	vpack.i.f32.bf16 v29, v29;
	(v2sf) =	vpush v25, $0xB;
	v32 =	vld [tilespmem:s31+$0x0]  }
0xef: {  	s25 =	spop (v2sf);
	v26 =	vmul.bf16 v28, v40;
	v27 =	vmul.bf16 v29, v41  }
0xf0: {  	v44 =	vperm.xlane v24, v7;
	v43 =	vpack.i.f32.bf16 v31, v31;
	(v2sf) =	vpush v25, $0xC;
	v45 =	vld [tilespmem:s25+$0x0];
	s26 =	spop (v2sf)  }
0xf1: {  	s25 =	spop (v2sf);
	v46 =	vmul.bf16 v43, v30;
	v26 =	vadd.bf16 v27, v26  }
0xf2: {  	v48 =	vperm.xlane v24, v9;
	v47 =	vpack.i.f32.bf16 v44, v44;
	(v2sf) =	vpush v25, $0xD;
	v49 =	vld [tilespmem:s25+$0x0]  }
0xf3: {  	s28 =	spop (v2sf);
	v50 =	vmul.bf16 v47, v32;
	v26 =	vadd.bf16 v46, v26  }
0xf4: {  	v52 =	vperm.xlane v24, v13;
	v51 =	vpack.i.f32.bf16 v48, v48;
	(v2sf) =	vpush v25, $0xE;
	v53 =	vld [tilespmem:s28+$0x0]  }
0xf5: {  	v54 =	vmul.bf16 v51, v45;
	v26 =	vadd.bf16 v50, v26  }
0xf6: {  	v56 =	vperm.xlane v24, v14;
	v55 =	vpack.i.f32.bf16 v52, v52;
	v57 =	vld [tilespmem:s26+$0x0];
	(v2sf) =	vpush v25, $0xF  }
0xf7: {  	v59 =	vmul.bf16 v55, v49;
	v58 =	vadd.bf16 v54, v26;
	s29 =	spop (v2sf)  }
0xf8: {  	v61 =	vperm.xlane v24, v15;
	v60 =	vpack.i.f32.bf16 v56, v56;
	v62 =	vld [tilespmem:s29+$0x0]  }
0xf9: {  	v63 =	vmul.bf16 v60, v53;
	s30 =	spop (v2sf);
	v25 =	vadd.bf16 v59, v58  }
0xfa: {  	v34 =	vperm.xlane v24, v16;
	v33 =	vpack.i.f32.bf16 v61, v61;
	v35 =	vld [tilespmem:s30+$0x0]  }
0xfb: {  	v36 =	vmul.bf16 v33, v57;
	s31 =	spop (v2sf);
	v25 =	vadd.bf16 v63, v25  }
0xfc: {  	v38 =	vperm.xlane v24, v17;
	v37 =	vpack.i.f32.bf16 v34, v34;
	v39 =	vld [tilespmem:s31+$0x0]  }
0xfd: {  	s25 =	spop (v2sf);
	v25 =	vadd.bf16 v36, v25;
	v40 =	vmul.bf16 v37, v62  }
0xfe: {  	v42 =	vperm.xlane v24, v18;
	v41 =	vpack.i.f32.bf16 v38, v38;
	v43 =	vld [tilespmem:s25+$0x0]  }
0xff: {  	s26 =	spop (v2sf);
	v44 =	vmul.bf16 v41, v35;
	v25 =	vadd.bf16 v40, v25  }
0x100: {  	v45 =	vpack.i.f32.bf16 v42, v42;
	v46 =	vperm.xlane v24, v19;
	v47 =	vld [tilespmem:s26+$0x0]  }
0x101: {  	s28 =	spop (v2sf);
	v48 =	vmul.bf16 v45, v39;
	v25 =	vadd.bf16 v44, v25  }
0x102: {  	v49 =	vpack.i.f32.bf16 v46, v46;
	v50 =	vperm.xlane v24, v20;
	v51 =	vld [tilespmem:s28+$0x0]  }
0x103: {  	s29 =	spop (v2sf);
	v52 =	vmul.bf16 v49, v43;
	v25 =	vadd.bf16 v48, v25  }
0x104: {  	v53 =	vpack.i.f32.bf16 v50, v50;
	v54 =	vperm.xlane v24, v21;
	v55 =	vld [tilespmem:s29+$0x0]  }
0x105: {  	s30 =	spop (v2sf);
	v56 =	vmul.bf16 v53, v47;
	v25 =	vadd.bf16 v52, v25  }
0x106: {  	v57 =	vpack.i.f32.bf16 v54, v54;
	v58 =	vperm.xlane v24, v22;
	v59 =	vld [tilespmem:s30+$0x0]  }
0x107: {  	v60 =	vmul.bf16 v57, v51;
	v25 =	vadd.bf16 v56, v25  }
0x108: {  	v24 =	vperm.xlane v24, v6;
	v61 =	vpack.i.f32.bf16 v58, v58  }
0x109: {  	v62 =	vmul.bf16 v61, v55;
	v25 =	vadd.bf16 v60, v25  }
0x10a: {  	s22 =	sadd.s32 $0x1, s22;
	v24 =	vpack.i.f32.bf16 v24, v24;
	v63 =	vor.u32 s24, v23  }
0x10b: {  	p0 =	sne.s32 s22, $0x20;
	v24 =	vmul.bf16 v24, v59;
	v25 =	vadd.bf16 v62, v25  }
.Ltmp2:
0x10c: {  	_ = 	snop;
	(pc) =	sbr.rel @p0 .LBB2_2-.Ltmp2, $3  }
0x10d: {  	v24 =	vadd.bf16 v24, v25;
	_ =	sdelay $0x1  }
0x10e: {  	s31 =	sadd.s32 s2, s23;
	[tilespmem:v63+s18+$0x0] =	vst.idx.msk $0xffff, v24  }
0x10f: {  	[hbm4b:s31+s11] =	stream.strided.scatter [tilespmem:s18], [sflag:$0x5], $0x800, s12, s11, $0x38;
	[tilespmem:$0xE080] =	vst v63  }
0x110: {  	_ =	swait.ge [sflag:s19], $0x800  }
0x111: {  	[sflag:s19] =	ssyncset.done $0x0  }
0x112: {  	s21 =	sadd.s32 $0x1, s21;
	[sflag:s19] =	ssyncadd.s32 $0xFFFFF800  }
0x113: {  	p0 =	sne.s32 s21, s9;
	_ =	swait.ge [sflag:s20], $0x800  }
.Ltmp3:
0x114: {  	[sflag:s20] =	ssyncset.done $0x0;
	(pc) =	sbr.rel @p0 .LBB2_1-.Ltmp3, $4  }
0x115: {  	[sflag:s20] =	ssyncadd.s32 $0xFFFFF800  }
0x116: {  	_ =	swait.ge [sflag:s14], $0x800  }
0x117: {  	[sflag:s14] =	ssyncset.done $0x0  }
0x118: {  	[sflag:s14] =	ssyncadd.s32 $0xFFFFF800  }
0x119: {  	_ =	sfence.sel $0x180000  }
0x11a: {  	[bflag:$0x0] =	sbarrier.arrive $0xFFFF  }
0x11b: {  	_ =	strace $0x90000047  }
0x11c: {  	[bflag:$0x2] =	sbarrier.arrive $0xFFFF  }
0x11d: {  	p0 =	sne.s32 s4, $0x0;
	s0 =	rddreg [dreg:$0x2]  }
0x11e: {  	s0 =	sadd.s32 @!p0 $0x100000, s0  }
0x11f: {  	[sflag:s0] =	ssyncadd.tile.s32 @!p0 $0x1;
	_ =	shalt  }
.Lfunc_end2:
_tile_overlayer_lowered:
.L_overlay_start_2:
0x120: {  	(tag) =	ssettag $0x2  }
0x121: {  	s0 =	rddreg [dreg:$0x0];
	s2 =	stileid.u32  }
0x122: {  	s1 =	rddreg [dreg:$0x1];
	p0 =	sne.s32 s2, $0x0  }
0x123: {  	s3 =	rddreg [dreg:$0x2];
	[bflag:$0x3] =	sbarrier.arrive $0xFFFF;
	s2 =	simm.s32 @!p0 $0x1C06  }
0x124: {  	[timem:s3], [sflag:s2] =	dma.local @!p0 [hbm:s0], s1  }
0x125: {  	s0 =	simm.s32 @!p0 $0x6  }
0x126: {  	_ =	swait.ge @!p0 [sflag:s0], s1  }
0x127: {  	s1 =	ssub.s32 @!p0 $0x0, s1;
	[sflag:s0] =	ssyncset.done @!p0 $0x0  }
0x128: {  	[sflag:s0] =	ssyncadd.s32 @!p0 s1  }
0x129: {  	[bflag:$0x3] =	sbarrier.arrive $0xFFFF  }
0x12a: {  	_ =	shalt  }

</sc_bundles>
